<compile_context>
chip_gen: v7x
topology: tpu7x:2x2x1
jax: 0.10.2.dev20260603
libtpu: 0.0.44.dev20260713+nightly
codegen_flags: <defaults>
</compile_context>

<pallas_src>
import functools

import jax
import jax.numpy as jnp
from jax.experimental import pallas as pl
from jax.experimental.pallas import tpu as pltpu


GRU_TILE = 1024
LU_COLS = 125


def _gru_half(h, msg, wi_ref, wh_ref, bih_ref, bhh_ref, d):
    gi = jax.lax.dot_general(
        msg, wi_ref[...], (((1,), (0,)), ((), ())),
        precision=jax.lax.Precision.HIGHEST,
        preferred_element_type=jnp.float32) + bih_ref[...]
    gh = jax.lax.dot_general(
        h, wh_ref[...], (((1,), (0,)), ((), ())),
        precision=jax.lax.Precision.HIGHEST,
        preferred_element_type=jnp.float32) + bhh_ref[...]
    i_r, i_z, i_n = gi[:, :d], gi[:, d:2 * d], gi[:, 2 * d:]
    h_r, h_z, h_n = gh[:, :d], gh[:, d:2 * d], gh[:, 2 * d:]
    r = jax.nn.sigmoid(i_r + h_r)
    z = jax.nn.sigmoid(i_z + h_z)
    n = jnp.tanh(i_n + r * h_n)
    return (1.0 - z) * n + z * h


def _tgn_kernel(mem_hbm, lu_ref, msg_e_ref, msg_o_ref, wi_ref, wh_ref,
                bih_ref, bhh_ref, t_ref, out_mem_hbm, out_lu_ref, vbuf,
                sem_h, sem_out, *, d, n_upd_view):
    gather = pltpu.make_async_copy(
        mem_hbm.at[pl.ds(0, n_upd_view), :], vbuf, sem_h)
    gather.start()
    gather.wait()

    T = GRU_TILE
    for j in range(n_upd_view // T):
        sl = (pl.ds(j * T, T), slice(None))
        blk = vbuf[sl]
        h_e, h_o = blk[:, :d], blk[:, d:]
        new_e = _gru_half(h_e, msg_e_ref[sl], wi_ref, wh_ref, bih_ref,
                          bhh_ref, d)
        new_o = _gru_half(h_o, msg_o_ref[sl], wi_ref, wh_ref, bih_ref,
                          bhh_ref, d)
        vbuf[sl] = jnp.concatenate([new_e, new_o], axis=1)

    scatter = pltpu.make_async_copy(
        vbuf, out_mem_hbm.at[pl.ds(0, n_upd_view), :], sem_out)
    scatter.start()

    lu = lu_ref[...]
    rl, cl = lu.shape
    elem = (jax.lax.broadcasted_iota(jnp.int32, (rl, cl), 0)) * cl \
        + jax.lax.broadcasted_iota(jnp.int32, (rl, cl), 1)
    out_lu_ref[...] = jnp.where(elem < 2 * n_upd_view, t_ref[0, 0], lu)

    scatter.wait()


def kernel(memory, last_update, unique_nids, unique_msg, W_ih, W_hh, b_ih,
           b_hh, t):
    n_nodes, d = memory.shape
    n_upd, msg_dim = unique_msg.shape

    mem2 = memory.reshape(n_nodes // 2, 2 * d)
    n_upd_view = n_upd // 2
    msg_e = unique_msg[0::2]
    msg_o = unique_msg[1::2]
    lu2 = last_update.reshape(n_nodes // LU_COLS, LU_COLS)
    t_arr = jnp.asarray(t, jnp.float32).reshape(1, 1)

    body = functools.partial(_tgn_kernel, d=d, n_upd_view=n_upd_view)
    out_mem2, out_lu = pl.pallas_call(
        body,
        grid=(1,),
        in_specs=[
            pl.BlockSpec(memory_space=pl.ANY),
            pl.BlockSpec(lu2.shape, lambda i: (0, 0)),
            pl.BlockSpec((n_upd_view, msg_dim), lambda i: (0, 0)),
            pl.BlockSpec((n_upd_view, msg_dim), lambda i: (0, 0)),
            pl.BlockSpec((msg_dim, 3 * d), lambda i: (0, 0)),
            pl.BlockSpec((d, 3 * d), lambda i: (0, 0)),
            pl.BlockSpec((1, 3 * d), lambda i: (0, 0)),
            pl.BlockSpec((1, 3 * d), lambda i: (0, 0)),
            pl.BlockSpec((1, 1), lambda i: (0, 0)),
        ],
        out_specs=[
            pl.BlockSpec(memory_space=pl.ANY),
            pl.BlockSpec(lu2.shape, lambda i: (0, 0)),
        ],
        out_shape=[
            jax.ShapeDtypeStruct(mem2.shape, jnp.float32),
            jax.ShapeDtypeStruct(lu2.shape, jnp.float32),
        ],
        scratch_shapes=[
            pltpu.VMEM((n_upd_view, 2 * d), jnp.float32),
            pltpu.SemaphoreType.DMA,
            pltpu.SemaphoreType.DMA,
        ],
        input_output_aliases={0: 0},
    )(mem2, lu2, msg_e, msg_o, W_ih.T, W_hh.T,
      b_ih.reshape(1, 3 * d), b_hh.reshape(1, 3 * d), t_arr)
    return (out_mem2.reshape(n_nodes, d), out_lu.reshape(n_nodes))

# --- scband reference (transcript-rebuilt; emitter-appended) ---
"""Pipeline reference for scband-tgn-8881992368207 (READ-ONLY COPY).

The authoritative reference and input builder live on the scoring server;
editing this copy changes nothing except your own understanding.
"""

import jax, jax.numpy as jnp
import numpy as np

N_NODES = 1000000
MEMORY_DIM = 64
MSG_DIM = 160
B = 16384


def setup_inputs(seed: int = 0) -> dict:
    key = jax.random.key(seed)
    ks = jax.random.split(key, 8)
    memory = jax.random.normal(ks[0], (N_NODES, MEMORY_DIM), dtype=jnp.float32)
    last_update = jnp.zeros((N_NODES,), dtype=jnp.float32)
    unique_nids = jnp.arange(B)
    unique_msg = jax.random.normal(ks[1], (B, MSG_DIM), dtype=jnp.float32)
    k = 1.0 / np.sqrt(MEMORY_DIM)
    W_ih = jax.random.uniform(ks[2], (3 * MEMORY_DIM, MSG_DIM), minval=-k, maxval=k, dtype=jnp.float32)
    W_hh = jax.random.uniform(ks[3], (3 * MEMORY_DIM, MEMORY_DIM), minval=-k, maxval=k, dtype=jnp.float32)
    b_ih = jax.random.uniform(ks[4], (3 * MEMORY_DIM,), minval=-k, maxval=k, dtype=jnp.float32)
    b_hh = jax.random.uniform(ks[5], (3 * MEMORY_DIM,), minval=-k, maxval=k, dtype=jnp.float32)
    t = 100
    return {
        'memory': memory,
        'last_update': last_update,
        'unique_nids': unique_nids,
        'unique_msg': unique_msg,
        'W_ih': W_ih,
        'W_hh': W_hh,
        'b_ih': b_ih,
        'b_hh': b_hh,
        't': t,
    }


def reference(memory, last_update, unique_nids, unique_msg, W_ih, W_hh, b_ih, b_hh, t):
    # TGN GRUMemoryUpdater.get_updated_memory:
    # gather memory rows for updated nodes, apply GRUCell(msg, mem), scatter back.
    h = memory[unique_nids]
    gi = unique_msg @ W_ih.T + b_ih
    gh = h @ W_hh.T + b_hh
    d = h.shape[1]
    i_r, i_z, i_n = gi[:, :d], gi[:, d:2 * d], gi[:, 2 * d:]
    h_r, h_z, h_n = gh[:, :d], gh[:, d:2 * d], gh[:, 2 * d:]
    r = jax.nn.sigmoid(i_r + h_r)
    z = jax.nn.sigmoid(i_z + h_z)
    n = jnp.tanh(i_n + r * h_n)
    h_new = (1.0 - z) * n + z * h
    updated_memory = memory.at[unique_nids].set(h_new)
    updated_last_update = last_update.at[unique_nids].set(jnp.float32(t))
    return (updated_memory, updated_last_update)

if __name__ == "__main__":
    import jax
    _d = setup_inputs()
    print(jax.jit(kernel)(*tuple(_d.values())))

</pallas_src>

<mosaic_0001>
module attributes {stable_mosaic.version = 14 : i64} {
  func.func @_tgn_kernel(%arg0: i32, %arg1: memref<500000x128xf32, #tpu.memory_space<any>>, %arg2: memref<8000x125xf32, #tpu.memory_space<vmem>>, %arg3: memref<8192x160xf32, #tpu.memory_space<vmem>>, %arg4: memref<8192x160xf32, #tpu.memory_space<vmem>>, %arg5: memref<160x192xf32, #tpu.memory_space<vmem>>, %arg6: memref<64x192xf32, #tpu.memory_space<vmem>>, %arg7: memref<1x192xf32, #tpu.memory_space<vmem>>, %arg8: memref<1x192xf32, #tpu.memory_space<vmem>>, %arg9: memref<1x1xf32, #tpu.memory_space<vmem>>, %arg10: memref<500000x128xf32, #tpu.memory_space<any>>, %arg11: memref<8000x125xf32, #tpu.memory_space<vmem>>, %arg12: memref<8192x128xf32, #tpu.memory_space<vmem>>, %arg13: memref<!tpu.dma_semaphore, #tpu.memory_space<semaphore_mem>>, %arg14: memref<!tpu.dma_semaphore, #tpu.memory_space<semaphore_mem>>) attributes {dimension_semantics = [#tpu.dimension_semantics<arbitrary>], iteration_bounds = array<i64: 1>, scalar_prefetch = 0 : i64, scratch_operands = 3 : i64, tpu.core_type = #tpu.core_type<tc>, window_params = [{}, {pipeline_mode = #tpu.pipeline_mode<synchronous>, transform_indices = @transform_1, window_bounds = array<i64: 8000, 125>}, {pipeline_mode = #tpu.pipeline_mode<synchronous>, transform_indices = @transform_2, window_bounds = array<i64: 8192, 160>}, {pipeline_mode = #tpu.pipeline_mode<synchronous>, transform_indices = @transform_3, window_bounds = array<i64: 8192, 160>}, {pipeline_mode = #tpu.pipeline_mode<synchronous>, transform_indices = @transform_4, window_bounds = array<i64: 160, 192>}, {pipeline_mode = #tpu.pipeline_mode<synchronous>, transform_indices = @transform_5, window_bounds = array<i64: 64, 192>}, {pipeline_mode = #tpu.pipeline_mode<synchronous>, transform_indices = @transform_6, window_bounds = array<i64: 1, 192>}, {pipeline_mode = #tpu.pipeline_mode<synchronous>, transform_indices = @transform_7, window_bounds = array<i64: 1, 192>}, {pipeline_mode = #tpu.pipeline_mode<synchronous>, transform_indices = @transform_8, window_bounds = array<i64: 1, 1>}, {}, {pipeline_mode = #tpu.pipeline_mode<synchronous>, transform_indices = @transform_10, window_bounds = array<i64: 8000, 125>}]} {
    %dma_start3A = arith.constant 0 : i32
    %dma_start3A_0 = arith.constant 0 : i32
    %dma_start3A_1 = tpu.memref_slice %arg1[%dma_start3A, %dma_start3A_0] : memref<500000x128xf32, #tpu.memory_space<any>> -> memref<8192x128xf32, #tpu.memory_space<any>>
    tpu.enqueue_dma source(%dma_start3A_1 : memref<8192x128xf32, #tpu.memory_space<any>>) target(%arg12 : memref<8192x128xf32, #tpu.memory_space<vmem>>) target_semaphore(%arg13 : memref<!tpu.dma_semaphore, #tpu.memory_space<semaphore_mem>>)
    %dma_wait3A = arith.constant 0 : i32
    %dma_wait3A_2 = arith.constant 0 : i32
    %dma_wait3A_3 = tpu.memref_slice %arg1[%dma_wait3A, %dma_wait3A_2] : memref<500000x128xf32, #tpu.memory_space<any>> -> memref<8192x128xf32, #tpu.memory_space<any>>
    tpu.wait_dma2 semaphore(%arg13 : memref<!tpu.dma_semaphore, #tpu.memory_space<semaphore_mem>>) src(%dma_wait3A_3 : memref<8192x128xf32, #tpu.memory_space<any>>) dst(%arg12 : memref<8192x128xf32, #tpu.memory_space<vmem>>)
    %get3A = arith.constant 0 : index
    %get3A_4 = arith.constant 0 : index
    %get3A_5 = vector.load %arg12[%get3A, %get3A_4] : memref<8192x128xf32, #tpu.memory_space<vmem>>, vector<1024x128xf32>
    %slice3A = vector.extract_strided_slice %get3A_5 {offsets = [0, 0], sizes = [1024, 64], strides = [1, 1]} : vector<1024x128xf32> to vector<1024x64xf32>
    %slice3A_6 = vector.extract_strided_slice %get3A_5 {offsets = [0, 64], sizes = [1024, 64], strides = [1, 1]} : vector<1024x128xf32> to vector<1024x64xf32>
    %get3A_7 = arith.constant 0 : index
    %get3A_8 = arith.constant 0 : index
    %get3A_9 = vector.load %arg3[%get3A_7, %get3A_8] : memref<8192x160xf32, #tpu.memory_space<vmem>>, vector<1024x160xf32>
    %get3A_10 = arith.constant 0 : index
    %get3A_11 = arith.constant 0 : index
    %get3A_12 = vector.load %arg5[%get3A_10, %get3A_11] : memref<160x192xf32, #tpu.memory_space<vmem>>, vector<160x192xf32>
    %dot_general3A = arith.constant dense<0.000000e+00> : vector<1024x192xf32>
    %dot_general3A_13 = tpu.matmul %get3A_9, %get3A_12, %dot_general3A {dimension_numbers = #tpu.dot_dimension_numbers<[1], [0], [0], [1], [0, 0, 1, 1], [], []>, precision = #tpu.contract_precision<fp32>, transpose_lhs_hint = false} : vector<1024x160xf32>, vector<160x192xf32>, vector<1024x192xf32> -> vector<1024x192xf32>
    %get3A_14 = arith.constant 0 : index
    %get3A_15 = arith.constant 0 : index
    %get3A_16 = vector.load %arg7[%get3A_14, %get3A_15] : memref<1x192xf32, #tpu.memory_space<vmem>>, vector<1x192xf32>
    %add3A = vector.broadcast %get3A_16 : vector<1x192xf32> to vector<1024x192xf32>
    %add3A_17 = arith.addf %dot_general3A_13, %add3A : vector<1024x192xf32>
    %get3A_18 = arith.constant 0 : index
    %get3A_19 = arith.constant 0 : index
    %get3A_20 = vector.load %arg6[%get3A_18, %get3A_19] : memref<64x192xf32, #tpu.memory_space<vmem>>, vector<64x192xf32>
    %dot_general3A_21 = arith.constant dense<0.000000e+00> : vector<1024x192xf32>
    %dot_general3A_22 = tpu.matmul %slice3A, %get3A_20, %dot_general3A_21 {dimension_numbers = #tpu.dot_dimension_numbers<[1], [0], [0], [1], [0, 0, 1, 1], [], []>, precision = #tpu.contract_precision<fp32>, transpose_lhs_hint = false} : vector<1024x64xf32>, vector<64x192xf32>, vector<1024x192xf32> -> vector<1024x192xf32>
    %get3A_23 = arith.constant 0 : index
    %get3A_24 = arith.constant 0 : index
    %get3A_25 = vector.load %arg8[%get3A_23, %get3A_24] : memref<1x192xf32, #tpu.memory_space<vmem>>, vector<1x192xf32>
    %add3A_26 = vector.broadcast %get3A_25 : vector<1x192xf32> to vector<1024x192xf32>
    %add3A_27 = arith.addf %dot_general3A_22, %add3A_26 : vector<1024x192xf32>
    %slice3A_28 = vector.extract_strided_slice %add3A_17 {offsets = [0, 0], sizes = [1024, 64], strides = [1, 1]} : vector<1024x192xf32> to vector<1024x64xf32>
    %slice3A_29 = vector.extract_strided_slice %add3A_17 {offsets = [0, 64], sizes = [1024, 64], strides = [1, 1]} : vector<1024x192xf32> to vector<1024x64xf32>
    %slice3A_30 = vector.extract_strided_slice %add3A_17 {offsets = [0, 128], sizes = [1024, 64], strides = [1, 1]} : vector<1024x192xf32> to vector<1024x64xf32>
    %slice3A_31 = vector.extract_strided_slice %add3A_27 {offsets = [0, 0], sizes = [1024, 64], strides = [1, 1]} : vector<1024x192xf32> to vector<1024x64xf32>
    %slice3A_32 = vector.extract_strided_slice %add3A_27 {offsets = [0, 64], sizes = [1024, 64], strides = [1, 1]} : vector<1024x192xf32> to vector<1024x64xf32>
    %slice3A_33 = vector.extract_strided_slice %add3A_27 {offsets = [0, 128], sizes = [1024, 64], strides = [1, 1]} : vector<1024x192xf32> to vector<1024x64xf32>
    %add3A_34 = arith.addf %slice3A_28, %slice3A_31 : vector<1024x64xf32>
    %logistic3A = arith.negf %add3A_34 : vector<1024x64xf32>
    %logistic3A_35 = math.exp %logistic3A : vector<1024x64xf32>
    %logistic3A_36 = arith.constant 1.000000e+00 : f32
    %logistic3A_37 = vector.broadcast %logistic3A_36 : f32 to vector<1024x64xf32>
    %logistic3A_38 = arith.addf %logistic3A_37, %logistic3A_35 : vector<1024x64xf32>
    %logistic3A_39 = arith.divf %logistic3A_37, %logistic3A_38 : vector<1024x64xf32>
    %add3A_40 = arith.addf %slice3A_29, %slice3A_32 : vector<1024x64xf32>
    %logistic3A_41 = arith.negf %add3A_40 : vector<1024x64xf32>
    %logistic3A_42 = math.exp %logistic3A_41 : vector<1024x64xf32>
    %logistic3A_43 = arith.constant 1.000000e+00 : f32
    %logistic3A_44 = vector.broadcast %logistic3A_43 : f32 to vector<1024x64xf32>
    %logistic3A_45 = arith.addf %logistic3A_44, %logistic3A_42 : vector<1024x64xf32>
    %logistic3A_46 = arith.divf %logistic3A_44, %logistic3A_45 : vector<1024x64xf32>
    %mul3A = arith.mulf %logistic3A_39, %slice3A_33 : vector<1024x64xf32>
    %add3A_47 = arith.addf %slice3A_30, %mul3A : vector<1024x64xf32>
    %tanh3A = math.tanh %add3A_47 : vector<1024x64xf32>
    %sub3A = arith.constant 1.000000e+00 : f32
    %sub3A_48 = vector.broadcast %sub3A : f32 to vector<1024x64xf32>
    %sub3A_49 = arith.subf %sub3A_48, %logistic3A_46 : vector<1024x64xf32>
    %mul3A_50 = arith.mulf %sub3A_49, %tanh3A : vector<1024x64xf32>
    %mul3A_51 = arith.mulf %logistic3A_46, %slice3A : vector<1024x64xf32>
    %add3A_52 = arith.addf %mul3A_50, %mul3A_51 : vector<1024x64xf32>
    %get3A_53 = arith.constant 0 : index
    %get3A_54 = arith.constant 0 : index
    %get3A_55 = vector.load %arg4[%get3A_53, %get3A_54] : memref<8192x160xf32, #tpu.memory_space<vmem>>, vector<1024x160xf32>
    %get3A_56 = arith.constant 0 : index
    %get3A_57 = arith.constant 0 : index
    %get3A_58 = vector.load %arg5[%get3A_56, %get3A_57] : memref<160x192xf32, #tpu.memory_space<vmem>>, vector<160x192xf32>
    %dot_general3A_59 = arith.constant dense<0.000000e+00> : vector<1024x192xf32>
    %dot_general3A_60 = tpu.matmul %get3A_55, %get3A_58, %dot_general3A_59 {dimension_numbers = #tpu.dot_dimension_numbers<[1], [0], [0], [1], [0, 0, 1, 1], [], []>, precision = #tpu.contract_precision<fp32>, transpose_lhs_hint = false} : vector<1024x160xf32>, vector<160x192xf32>, vector<1024x192xf32> -> vector<1024x192xf32>
    %get3A_61 = arith.constant 0 : index
    %get3A_62 = arith.constant 0 : index
    %get3A_63 = vector.load %arg7[%get3A_61, %get3A_62] : memref<1x192xf32, #tpu.memory_space<vmem>>, vector<1x192xf32>
    %add3A_64 = vector.broadcast %get3A_63 : vector<1x192xf32> to vector<1024x192xf32>
    %add3A_65 = arith.addf %dot_general3A_60, %add3A_64 : vector<1024x192xf32>
    %get3A_66 = arith.constant 0 : index
    %get3A_67 = arith.constant 0 : index
    %get3A_68 = vector.load %arg6[%get3A_66, %get3A_67] : memref<64x192xf32, #tpu.memory_space<vmem>>, vector<64x192xf32>
    %dot_general3A_69 = arith.constant dense<0.000000e+00> : vector<1024x192xf32>
    %dot_general3A_70 = tpu.matmul %slice3A_6, %get3A_68, %dot_general3A_69 {dimension_numbers = #tpu.dot_dimension_numbers<[1], [0], [0], [1], [0, 0, 1, 1], [], []>, precision = #tpu.contract_precision<fp32>, transpose_lhs_hint = false} : vector<1024x64xf32>, vector<64x192xf32>, vector<1024x192xf32> -> vector<1024x192xf32>
    %get3A_71 = arith.constant 0 : index
    %get3A_72 = arith.constant 0 : index
    %get3A_73 = vector.load %arg8[%get3A_71, %get3A_72] : memref<1x192xf32, #tpu.memory_space<vmem>>, vector<1x192xf32>
    %add3A_74 = vector.broadcast %get3A_73 : vector<1x192xf32> to vector<1024x192xf32>
    %add3A_75 = arith.addf %dot_general3A_70, %add3A_74 : vector<1024x192xf32>
    %slice3A_76 = vector.extract_strided_slice %add3A_65 {offsets = [0, 0], sizes = [1024, 64], strides = [1, 1]} : vector<1024x192xf32> to vector<1024x64xf32>
    %slice3A_77 = vector.extract_strided_slice %add3A_65 {offsets = [0, 64], sizes = [1024, 64], strides = [1, 1]} : vector<1024x192xf32> to vector<1024x64xf32>
    %slice3A_78 = vector.extract_strided_slice %add3A_65 {offsets = [0, 128], sizes = [1024, 64], strides = [1, 1]} : vector<1024x192xf32> to vector<1024x64xf32>
    %slice3A_79 = vector.extract_strided_slice %add3A_75 {offsets = [0, 0], sizes = [1024, 64], strides = [1, 1]} : vector<1024x192xf32> to vector<1024x64xf32>
    %slice3A_80 = vector.extract_strided_slice %add3A_75 {offsets = [0, 64], sizes = [1024, 64], strides = [1, 1]} : vector<1024x192xf32> to vector<1024x64xf32>
    %slice3A_81 = vector.extract_strided_slice %add3A_75 {offsets = [0, 128], sizes = [1024, 64], strides = [1, 1]} : vector<1024x192xf32> to vector<1024x64xf32>
    %add3A_82 = arith.addf %slice3A_76, %slice3A_79 : vector<1024x64xf32>
    %logistic3A_83 = arith.negf %add3A_82 : vector<1024x64xf32>
    %logistic3A_84 = math.exp %logistic3A_83 : vector<1024x64xf32>
    %logistic3A_85 = arith.constant 1.000000e+00 : f32
    %logistic3A_86 = vector.broadcast %logistic3A_85 : f32 to vector<1024x64xf32>
    %logistic3A_87 = arith.addf %logistic3A_86, %logistic3A_84 : vector<1024x64xf32>
    %logistic3A_88 = arith.divf %logistic3A_86, %logistic3A_87 : vector<1024x64xf32>
    %add3A_89 = arith.addf %slice3A_77, %slice3A_80 : vector<1024x64xf32>
    %logistic3A_90 = arith.negf %add3A_89 : vector<1024x64xf32>
    %logistic3A_91 = math.exp %logistic3A_90 : vector<1024x64xf32>
    %logistic3A_92 = arith.constant 1.000000e+00 : f32
    %logistic3A_93 = vector.broadcast %logistic3A_92 : f32 to vector<1024x64xf32>
    %logistic3A_94 = arith.addf %logistic3A_93, %logistic3A_91 : vector<1024x64xf32>
    %logistic3A_95 = arith.divf %logistic3A_93, %logistic3A_94 : vector<1024x64xf32>
    %mul3A_96 = arith.mulf %logistic3A_88, %slice3A_81 : vector<1024x64xf32>
    %add3A_97 = arith.addf %slice3A_78, %mul3A_96 : vector<1024x64xf32>
    %tanh3A_98 = math.tanh %add3A_97 : vector<1024x64xf32>
    %sub3A_99 = arith.constant 1.000000e+00 : f32
    %sub3A_100 = vector.broadcast %sub3A_99 : f32 to vector<1024x64xf32>
    %sub3A_101 = arith.subf %sub3A_100, %logistic3A_95 : vector<1024x64xf32>
    %mul3A_102 = arith.mulf %sub3A_101, %tanh3A_98 : vector<1024x64xf32>
    %mul3A_103 = arith.mulf %logistic3A_95, %slice3A_6 : vector<1024x64xf32>
    %add3A_104 = arith.addf %mul3A_102, %mul3A_103 : vector<1024x64xf32>
    %concatenate3A = tpu.concatenate %add3A_52, %add3A_104 in 1 : vector<1024x64xf32>, vector<1024x64xf32> -> vector<1024x128xf32>
    %swap3A = arith.constant 0 : index
    %swap3A_105 = arith.constant 0 : index
    %swap3A_106 = vector.load %arg12[%swap3A, %swap3A_105] : memref<8192x128xf32, #tpu.memory_space<vmem>>, vector<1024x128xf32>
    tpu.vector_store %arg12[%swap3A, %swap3A_105], %concatenate3A {strides = array<i32>} : memref<8192x128xf32, #tpu.memory_space<vmem>>, vector<1024x128xf32>,
    %get3A_107 = arith.constant 1024 : index
    %get3A_108 = arith.constant 0 : index
    %get3A_109 = vector.load %arg12[%get3A_107, %get3A_108] : memref<8192x128xf32, #tpu.memory_space<vmem>>, vector<1024x128xf32>
    %slice3A_110 = vector.extract_strided_slice %get3A_109 {offsets = [0, 0], sizes = [1024, 64], strides = [1, 1]} : vector<1024x128xf32> to vector<1024x64xf32>
    %slice3A_111 = vector.extract_strided_slice %get3A_109 {offsets = [0, 64], sizes = [1024, 64], strides = [1, 1]} : vector<1024x128xf32> to vector<1024x64xf32>
    %get3A_112 = arith.constant 1024 : index
    %get3A_113 = arith.constant 0 : index
    %get3A_114 = vector.load %arg3[%get3A_112, %get3A_113] : memref<8192x160xf32, #tpu.memory_space<vmem>>, vector<1024x160xf32>
    %get3A_115 = arith.constant 0 : index
    %get3A_116 = arith.constant 0 : index
    %get3A_117 = vector.load %arg5[%get3A_115, %get3A_116] : memref<160x192xf32, #tpu.memory_space<vmem>>, vector<160x192xf32>
    %dot_general3A_118 = arith.constant dense<0.000000e+00> : vector<1024x192xf32>
    %dot_general3A_119 = tpu.matmul %get3A_114, %get3A_117, %dot_general3A_118 {dimension_numbers = #tpu.dot_dimension_numbers<[1], [0], [0], [1], [0, 0, 1, 1], [], []>, precision = #tpu.contract_precision<fp32>, transpose_lhs_hint = false} : vector<1024x160xf32>, vector<160x192xf32>, vector<1024x192xf32> -> vector<1024x192xf32>
    %get3A_120 = arith.constant 0 : index
    %get3A_121 = arith.constant 0 : index
    %get3A_122 = vector.load %arg7[%get3A_120, %get3A_121] : memref<1x192xf32, #tpu.memory_space<vmem>>, vector<1x192xf32>
    %add3A_123 = vector.broadcast %get3A_122 : vector<1x192xf32> to vector<1024x192xf32>
    %add3A_124 = arith.addf %dot_general3A_119, %add3A_123 : vector<1024x192xf32>
    %get3A_125 = arith.constant 0 : index
    %get3A_126 = arith.constant 0 : index
    %get3A_127 = vector.load %arg6[%get3A_125, %get3A_126] : memref<64x192xf32, #tpu.memory_space<vmem>>, vector<64x192xf32>
    %dot_general3A_128 = arith.constant dense<0.000000e+00> : vector<1024x192xf32>
    %dot_general3A_129 = tpu.matmul %slice3A_110, %get3A_127, %dot_general3A_128 {dimension_numbers = #tpu.dot_dimension_numbers<[1], [0], [0], [1], [0, 0, 1, 1], [], []>, precision = #tpu.contract_precision<fp32>, transpose_lhs_hint = false} : vector<1024x64xf32>, vector<64x192xf32>, vector<1024x192xf32> -> vector<1024x192xf32>
    %get3A_130 = arith.constant 0 : index
    %get3A_131 = arith.constant 0 : index
    %get3A_132 = vector.load %arg8[%get3A_130, %get3A_131] : memref<1x192xf32, #tpu.memory_space<vmem>>, vector<1x192xf32>
    %add3A_133 = vector.broadcast %get3A_132 : vector<1x192xf32> to vector<1024x192xf32>
    %add3A_134 = arith.addf %dot_general3A_129, %add3A_133 : vector<1024x192xf32>
    %slice3A_135 = vector.extract_strided_slice %add3A_124 {offsets = [0, 0], sizes = [1024, 64], strides = [1, 1]} : vector<1024x192xf32> to vector<1024x64xf32>
    %slice3A_136 = vector.extract_strided_slice %add3A_124 {offsets = [0, 64], sizes = [1024, 64], strides = [1, 1]} : vector<1024x192xf32> to vector<1024x64xf32>
    %slice3A_137 = vector.extract_strided_slice %add3A_124 {offsets = [0, 128], sizes = [1024, 64], strides = [1, 1]} : vector<1024x192xf32> to vector<1024x64xf32>
    %slice3A_138 = vector.extract_strided_slice %add3A_134 {offsets = [0, 0], sizes = [1024, 64], strides = [1, 1]} : vector<1024x192xf32> to vector<1024x64xf32>
    %slice3A_139 = vector.extract_strided_slice %add3A_134 {offsets = [0, 64], sizes = [1024, 64], strides = [1, 1]} : vector<1024x192xf32> to vector<1024x64xf32>
    %slice3A_140 = vector.extract_strided_slice %add3A_134 {offsets = [0, 128], sizes = [1024, 64], strides = [1, 1]} : vector<1024x192xf32> to vector<1024x64xf32>
    %add3A_141 = arith.addf %slice3A_135, %slice3A_138 : vector<1024x64xf32>
    %logistic3A_142 = arith.negf %add3A_141 : vector<1024x64xf32>
    %logistic3A_143 = math.exp %logistic3A_142 : vector<1024x64xf32>
    %logistic3A_144 = arith.constant 1.000000e+00 : f32
    %logistic3A_145 = vector.broadcast %logistic3A_144 : f32 to vector<1024x64xf32>
    %logistic3A_146 = arith.addf %logistic3A_145, %logistic3A_143 : vector<1024x64xf32>
    %logistic3A_147 = arith.divf %logistic3A_145, %logistic3A_146 : vector<1024x64xf32>
    %add3A_148 = arith.addf %slice3A_136, %slice3A_139 : vector<1024x64xf32>
    %logistic3A_149 = arith.negf %add3A_148 : vector<1024x64xf32>
    %logistic3A_150 = math.exp %logistic3A_149 : vector<1024x64xf32>
    %logistic3A_151 = arith.constant 1.000000e+00 : f32
    %logistic3A_152 = vector.broadcast %logistic3A_151 : f32 to vector<1024x64xf32>
    %logistic3A_153 = arith.addf %logistic3A_152, %logistic3A_150 : vector<1024x64xf32>
    %logistic3A_154 = arith.divf %logistic3A_152, %logistic3A_153 : vector<1024x64xf32>
    %mul3A_155 = arith.mulf %logistic3A_147, %slice3A_140 : vector<1024x64xf32>
    %add3A_156 = arith.addf %slice3A_137, %mul3A_155 : vector<1024x64xf32>
    %tanh3A_157 = math.tanh %add3A_156 : vector<1024x64xf32>
    %sub3A_158 = arith.constant 1.000000e+00 : f32
    %sub3A_159 = vector.broadcast %sub3A_158 : f32 to vector<1024x64xf32>
    %sub3A_160 = arith.subf %sub3A_159, %logistic3A_154 : vector<1024x64xf32>
    %mul3A_161 = arith.mulf %sub3A_160, %tanh3A_157 : vector<1024x64xf32>
    %mul3A_162 = arith.mulf %logistic3A_154, %slice3A_110 : vector<1024x64xf32>
    %add3A_163 = arith.addf %mul3A_161, %mul3A_162 : vector<1024x64xf32>
    %get3A_164 = arith.constant 1024 : index
    %get3A_165 = arith.constant 0 : index
    %get3A_166 = vector.load %arg4[%get3A_164, %get3A_165] : memref<8192x160xf32, #tpu.memory_space<vmem>>, vector<1024x160xf32>
    %get3A_167 = arith.constant 0 : index
    %get3A_168 = arith.constant 0 : index
    %get3A_169 = vector.load %arg5[%get3A_167, %get3A_168] : memref<160x192xf32, #tpu.memory_space<vmem>>, vector<160x192xf32>
    %dot_general3A_170 = arith.constant dense<0.000000e+00> : vector<1024x192xf32>
    %dot_general3A_171 = tpu.matmul %get3A_166, %get3A_169, %dot_general3A_170 {dimension_numbers = #tpu.dot_dimension_numbers<[1], [0], [0], [1], [0, 0, 1, 1], [], []>, precision = #tpu.contract_precision<fp32>, transpose_lhs_hint = false} : vector<1024x160xf32>, vector<160x192xf32>, vector<1024x192xf32> -> vector<1024x192xf32>
    %get3A_172 = arith.constant 0 : index
    %get3A_173 = arith.constant 0 : index
    %get3A_174 = vector.load %arg7[%get3A_172, %get3A_173] : memref<1x192xf32, #tpu.memory_space<vmem>>, vector<1x192xf32>
    %add3A_175 = vector.broadcast %get3A_174 : vector<1x192xf32> to vector<1024x192xf32>
    %add3A_176 = arith.addf %dot_general3A_171, %add3A_175 : vector<1024x192xf32>
    %get3A_177 = arith.constant 0 : index
    %get3A_178 = arith.constant 0 : index
    %get3A_179 = vector.load %arg6[%get3A_177, %get3A_178] : memref<64x192xf32, #tpu.memory_space<vmem>>, vector<64x192xf32>
    %dot_general3A_180 = arith.constant dense<0.000000e+00> : vector<1024x192xf32>
    %dot_general3A_181 = tpu.matmul %slice3A_111, %get3A_179, %dot_general3A_180 {dimension_numbers = #tpu.dot_dimension_numbers<[1], [0], [0], [1], [0, 0, 1, 1], [], []>, precision = #tpu.contract_precision<fp32>, transpose_lhs_hint = false} : vector<1024x64xf32>, vector<64x192xf32>, vector<1024x192xf32> -> vector<1024x192xf32>
    %get3A_182 = arith.constant 0 : index
    %get3A_183 = arith.constant 0 : index
    %get3A_184 = vector.load %arg8[%get3A_182, %get3A_183] : memref<1x192xf32, #tpu.memory_space<vmem>>, vector<1x192xf32>
    %add3A_185 = vector.broadcast %get3A_184 : vector<1x192xf32> to vector<1024x192xf32>
    %add3A_186 = arith.addf %dot_general3A_181, %add3A_185 : vector<1024x192xf32>
    %slice3A_187 = vector.extract_strided_slice %add3A_176 {offsets = [0, 0], sizes = [1024, 64], strides = [1, 1]} : vector<1024x192xf32> to vector<1024x64xf32>
    %slice3A_188 = vector.extract_strided_slice %add3A_176 {offsets = [0, 64], sizes = [1024, 64], strides = [1, 1]} : vector<1024x192xf32> to vector<1024x64xf32>
    %slice3A_189 = vector.extract_strided_slice %add3A_176 {offsets = [0, 128], sizes = [1024, 64], strides = [1, 1]} : vector<1024x192xf32> to vector<1024x64xf32>
    %slice3A_190 = vector.extract_strided_slice %add3A_186 {offsets = [0, 0], sizes = [1024, 64], strides = [1, 1]} : vector<1024x192xf32> to vector<1024x64xf32>
    %slice3A_191 = vector.extract_strided_slice %add3A_186 {offsets = [0, 64], sizes = [1024, 64], strides = [1, 1]} : vector<1024x192xf32> to vector<1024x64xf32>
    %slice3A_192 = vector.extract_strided_slice %add3A_186 {offsets = [0, 128], sizes = [1024, 64], strides = [1, 1]} : vector<1024x192xf32> to vector<1024x64xf32>
    %add3A_193 = arith.addf %slice3A_187, %slice3A_190 : vector<1024x64xf32>
    %logistic3A_194 = arith.negf %add3A_193 : vector<1024x64xf32>
    %logistic3A_195 = math.exp %logistic3A_194 : vector<1024x64xf32>
    %logistic3A_196 = arith.constant 1.000000e+00 : f32
    %logistic3A_197 = vector.broadcast %logistic3A_196 : f32 to vector<1024x64xf32>
    %logistic3A_198 = arith.addf %logistic3A_197, %logistic3A_195 : vector<1024x64xf32>
    %logistic3A_199 = arith.divf %logistic3A_197, %logistic3A_198 : vector<1024x64xf32>
    %add3A_200 = arith.addf %slice3A_188, %slice3A_191 : vector<1024x64xf32>
    %logistic3A_201 = arith.negf %add3A_200 : vector<1024x64xf32>
    %logistic3A_202 = math.exp %logistic3A_201 : vector<1024x64xf32>
    %logistic3A_203 = arith.constant 1.000000e+00 : f32
    %logistic3A_204 = vector.broadcast %logistic3A_203 : f32 to vector<1024x64xf32>
    %logistic3A_205 = arith.addf %logistic3A_204, %logistic3A_202 : vector<1024x64xf32>
    %logistic3A_206 = arith.divf %logistic3A_204, %logistic3A_205 : vector<1024x64xf32>
    %mul3A_207 = arith.mulf %logistic3A_199, %slice3A_192 : vector<1024x64xf32>
    %add3A_208 = arith.addf %slice3A_189, %mul3A_207 : vector<1024x64xf32>
    %tanh3A_209 = math.tanh %add3A_208 : vector<1024x64xf32>
    %sub3A_210 = arith.constant 1.000000e+00 : f32
    %sub3A_211 = vector.broadcast %sub3A_210 : f32 to vector<1024x64xf32>
    %sub3A_212 = arith.subf %sub3A_211, %logistic3A_206 : vector<1024x64xf32>
    %mul3A_213 = arith.mulf %sub3A_212, %tanh3A_209 : vector<1024x64xf32>
    %mul3A_214 = arith.mulf %logistic3A_206, %slice3A_111 : vector<1024x64xf32>
    %add3A_215 = arith.addf %mul3A_213, %mul3A_214 : vector<1024x64xf32>
    %concatenate3A_216 = tpu.concatenate %add3A_163, %add3A_215 in 1 : vector<1024x64xf32>, vector<1024x64xf32> -> vector<1024x128xf32>
    %swap3A_217 = arith.constant 1024 : index
    %swap3A_218 = arith.constant 0 : index
    %swap3A_219 = vector.load %arg12[%swap3A_217, %swap3A_218] : memref<8192x128xf32, #tpu.memory_space<vmem>>, vector<1024x128xf32>
    tpu.vector_store %arg12[%swap3A_217, %swap3A_218], %concatenate3A_216 {strides = array<i32>} : memref<8192x128xf32, #tpu.memory_space<vmem>>, vector<1024x128xf32>,
    %get3A_220 = arith.constant 2048 : index
    %get3A_221 = arith.constant 0 : index
    %get3A_222 = vector.load %arg12[%get3A_220, %get3A_221] : memref<8192x128xf32, #tpu.memory_space<vmem>>, vector<1024x128xf32>
    %slice3A_223 = vector.extract_strided_slice %get3A_222 {offsets = [0, 0], sizes = [1024, 64], strides = [1, 1]} : vector<1024x128xf32> to vector<1024x64xf32>
    %slice3A_224 = vector.extract_strided_slice %get3A_222 {offsets = [0, 64], sizes = [1024, 64], strides = [1, 1]} : vector<1024x128xf32> to vector<1024x64xf32>
    %get3A_225 = arith.constant 2048 : index
    %get3A_226 = arith.constant 0 : index
    %get3A_227 = vector.load %arg3[%get3A_225, %get3A_226] : memref<8192x160xf32, #tpu.memory_space<vmem>>, vector<1024x160xf32>
    %get3A_228 = arith.constant 0 : index
    %get3A_229 = arith.constant 0 : index
    %get3A_230 = vector.load %arg5[%get3A_228, %get3A_229] : memref<160x192xf32, #tpu.memory_space<vmem>>, vector<160x192xf32>
    %dot_general3A_231 = arith.constant dense<0.000000e+00> : vector<1024x192xf32>
    %dot_general3A_232 = tpu.matmul %get3A_227, %get3A_230, %dot_general3A_231 {dimension_numbers = #tpu.dot_dimension_numbers<[1], [0], [0], [1], [0, 0, 1, 1], [], []>, precision = #tpu.contract_precision<fp32>, transpose_lhs_hint = false} : vector<1024x160xf32>, vector<160x192xf32>, vector<1024x192xf32> -> vector<1024x192xf32>
    %get3A_233 = arith.constant 0 : index
    %get3A_234 = arith.constant 0 : index
    %get3A_235 = vector.load %arg7[%get3A_233, %get3A_234] : memref<1x192xf32, #tpu.memory_space<vmem>>, vector<1x192xf32>
    %add3A_236 = vector.broadcast %get3A_235 : vector<1x192xf32> to vector<1024x192xf32>
    %add3A_237 = arith.addf %dot_general3A_232, %add3A_236 : vector<1024x192xf32>
    %get3A_238 = arith.constant 0 : index
    %get3A_239 = arith.constant 0 : index
    %get3A_240 = vector.load %arg6[%get3A_238, %get3A_239] : memref<64x192xf32, #tpu.memory_space<vmem>>, vector<64x192xf32>
    %dot_general3A_241 = arith.constant dense<0.000000e+00> : vector<1024x192xf32>
    %dot_general3A_242 = tpu.matmul %slice3A_223, %get3A_240, %dot_general3A_241 {dimension_numbers = #tpu.dot_dimension_numbers<[1], [0], [0], [1], [0, 0, 1, 1], [], []>, precision = #tpu.contract_precision<fp32>, transpose_lhs_hint = false} : vector<1024x64xf32>, vector<64x192xf32>, vector<1024x192xf32> -> vector<1024x192xf32>
    %get3A_243 = arith.constant 0 : index
    %get3A_244 = arith.constant 0 : index
    %get3A_245 = vector.load %arg8[%get3A_243, %get3A_244] : memref<1x192xf32, #tpu.memory_space<vmem>>, vector<1x192xf32>
    %add3A_246 = vector.broadcast %get3A_245 : vector<1x192xf32> to vector<1024x192xf32>
    %add3A_247 = arith.addf %dot_general3A_242, %add3A_246 : vector<1024x192xf32>
    %slice3A_248 = vector.extract_strided_slice %add3A_237 {offsets = [0, 0], sizes = [1024, 64], strides = [1, 1]} : vector<1024x192xf32> to vector<1024x64xf32>
    %slice3A_249 = vector.extract_strided_slice %add3A_237 {offsets = [0, 64], sizes = [1024, 64], strides = [1, 1]} : vector<1024x192xf32> to vector<1024x64xf32>
    %slice3A_250 = vector.extract_strided_slice %add3A_237 {offsets = [0, 128], sizes = [1024, 64], strides = [1, 1]} : vector<1024x192xf32> to vector<1024x64xf32>
    %slice3A_251 = vector.extract_strided_slice %add3A_247 {offsets = [0, 0], sizes = [1024, 64], strides = [1, 1]} : vector<1024x192xf32> to vector<1024x64xf32>
    %slice3A_252 = vector.extract_strided_slice %add3A_247 {offsets = [0, 64], sizes = [1024, 64], strides = [1, 1]} : vector<1024x192xf32> to vector<1024x64xf32>
    %slice3A_253 = vector.extract_strided_slice %add3A_247 {offsets = [0, 128], sizes = [1024, 64], strides = [1, 1]} : vector<1024x192xf32> to vector<1024x64xf32>
    %add3A_254 = arith.addf %slice3A_248, %slice3A_251 : vector<1024x64xf32>
    %logistic3A_255 = arith.negf %add3A_254 : vector<1024x64xf32>
    %logistic3A_256 = math.exp %logistic3A_255 : vector<1024x64xf32>
    %logistic3A_257 = arith.constant 1.000000e+00 : f32
    %logistic3A_258 = vector.broadcast %logistic3A_257 : f32 to vector<1024x64xf32>
    %logistic3A_259 = arith.addf %logistic3A_258, %logistic3A_256 : vector<1024x64xf32>
    %logistic3A_260 = arith.divf %logistic3A_258, %logistic3A_259 : vector<1024x64xf32>
    %add3A_261 = arith.addf %slice3A_249, %slice3A_252 : vector<1024x64xf32>
    %logistic3A_262 = arith.negf %add3A_261 : vector<1024x64xf32>
    %logistic3A_263 = math.exp %logistic3A_262 : vector<1024x64xf32>
    %logistic3A_264 = arith.constant 1.000000e+00 : f32
    %logistic3A_265 = vector.broadcast %logistic3A_264 : f32 to vector<1024x64xf32>
    %logistic3A_266 = arith.addf %logistic3A_265, %logistic3A_263 : vector<1024x64xf32>
    %logistic3A_267 = arith.divf %logistic3A_265, %logistic3A_266 : vector<1024x64xf32>
    %mul3A_268 = arith.mulf %logistic3A_260, %slice3A_253 : vector<1024x64xf32>
    %add3A_269 = arith.addf %slice3A_250, %mul3A_268 : vector<1024x64xf32>
    %tanh3A_270 = math.tanh %add3A_269 : vector<1024x64xf32>
    %sub3A_271 = arith.constant 1.000000e+00 : f32
    %sub3A_272 = vector.broadcast %sub3A_271 : f32 to vector<1024x64xf32>
    %sub3A_273 = arith.subf %sub3A_272, %logistic3A_267 : vector<1024x64xf32>
    %mul3A_274 = arith.mulf %sub3A_273, %tanh3A_270 : vector<1024x64xf32>
    %mul3A_275 = arith.mulf %logistic3A_267, %slice3A_223 : vector<1024x64xf32>
    %add3A_276 = arith.addf %mul3A_274, %mul3A_275 : vector<1024x64xf32>
    %get3A_277 = arith.constant 2048 : index
    %get3A_278 = arith.constant 0 : index
    %get3A_279 = vector.load %arg4[%get3A_277, %get3A_278] : memref<8192x160xf32, #tpu.memory_space<vmem>>, vector<1024x160xf32>
    %get3A_280 = arith.constant 0 : index
    %get3A_281 = arith.constant 0 : index
    %get3A_282 = vector.load %arg5[%get3A_280, %get3A_281] : memref<160x192xf32, #tpu.memory_space<vmem>>, vector<160x192xf32>
    %dot_general3A_283 = arith.constant dense<0.000000e+00> : vector<1024x192xf32>
    %dot_general3A_284 = tpu.matmul %get3A_279, %get3A_282, %dot_general3A_283 {dimension_numbers = #tpu.dot_dimension_numbers<[1], [0], [0], [1], [0, 0, 1, 1], [], []>, precision = #tpu.contract_precision<fp32>, transpose_lhs_hint = false} : vector<1024x160xf32>, vector<160x192xf32>, vector<1024x192xf32> -> vector<1024x192xf32>
    %get3A_285 = arith.constant 0 : index
    %get3A_286 = arith.constant 0 : index
    %get3A_287 = vector.load %arg7[%get3A_285, %get3A_286] : memref<1x192xf32, #tpu.memory_space<vmem>>, vector<1x192xf32>
    %add3A_288 = vector.broadcast %get3A_287 : vector<1x192xf32> to vector<1024x192xf32>
    %add3A_289 = arith.addf %dot_general3A_284, %add3A_288 : vector<1024x192xf32>
    %get3A_290 = arith.constant 0 : index
    %get3A_291 = arith.constant 0 : index
    %get3A_292 = vector.load %arg6[%get3A_290, %get3A_291] : memref<64x192xf32, #tpu.memory_space<vmem>>, vector<64x192xf32>
    %dot_general3A_293 = arith.constant dense<0.000000e+00> : vector<1024x192xf32>
    %dot_general3A_294 = tpu.matmul %slice3A_224, %get3A_292, %dot_general3A_293 {dimension_numbers = #tpu.dot_dimension_numbers<[1], [0], [0], [1], [0, 0, 1, 1], [], []>, precision = #tpu.contract_precision<fp32>, transpose_lhs_hint = false} : vector<1024x64xf32>, vector<64x192xf32>, vector<1024x192xf32> -> vector<1024x192xf32>
    %get3A_295 = arith.constant 0 : index
    %get3A_296 = arith.constant 0 : index
    %get3A_297 = vector.load %arg8[%get3A_295, %get3A_296] : memref<1x192xf32, #tpu.memory_space<vmem>>, vector<1x192xf32>
    %add3A_298 = vector.broadcast %get3A_297 : vector<1x192xf32> to vector<1024x192xf32>
    %add3A_299 = arith.addf %dot_general3A_294, %add3A_298 : vector<1024x192xf32>
    %slice3A_300 = vector.extract_strided_slice %add3A_289 {offsets = [0, 0], sizes = [1024, 64], strides = [1, 1]} : vector<1024x192xf32> to vector<1024x64xf32>
    %slice3A_301 = vector.extract_strided_slice %add3A_289 {offsets = [0, 64], sizes = [1024, 64], strides = [1, 1]} : vector<1024x192xf32> to vector<1024x64xf32>
    %slice3A_302 = vector.extract_strided_slice %add3A_289 {offsets = [0, 128], sizes = [1024, 64], strides = [1, 1]} : vector<1024x192xf32> to vector<1024x64xf32>
    %slice3A_303 = vector.extract_strided_slice %add3A_299 {offsets = [0, 0], sizes = [1024, 64], strides = [1, 1]} : vector<1024x192xf32> to vector<1024x64xf32>
    %slice3A_304 = vector.extract_strided_slice %add3A_299 {offsets = [0, 64], sizes = [1024, 64], strides = [1, 1]} : vector<1024x192xf32> to vector<1024x64xf32>
    %slice3A_305 = vector.extract_strided_slice %add3A_299 {offsets = [0, 128], sizes = [1024, 64], strides = [1, 1]} : vector<1024x192xf32> to vector<1024x64xf32>
    %add3A_306 = arith.addf %slice3A_300, %slice3A_303 : vector<1024x64xf32>
    %logistic3A_307 = arith.negf %add3A_306 : vector<1024x64xf32>
    %logistic3A_308 = math.exp %logistic3A_307 : vector<1024x64xf32>
    %logistic3A_309 = arith.constant 1.000000e+00 : f32
    %logistic3A_310 = vector.broadcast %logistic3A_309 : f32 to vector<1024x64xf32>
    %logistic3A_311 = arith.addf %logistic3A_310, %logistic3A_308 : vector<1024x64xf32>
    %logistic3A_312 = arith.divf %logistic3A_310, %logistic3A_311 : vector<1024x64xf32>
    %add3A_313 = arith.addf %slice3A_301, %slice3A_304 : vector<1024x64xf32>
    %logistic3A_314 = arith.negf %add3A_313 : vector<1024x64xf32>
    %logistic3A_315 = math.exp %logistic3A_314 : vector<1024x64xf32>
    %logistic3A_316 = arith.constant 1.000000e+00 : f32
    %logistic3A_317 = vector.broadcast %logistic3A_316 : f32 to vector<1024x64xf32>
    %logistic3A_318 = arith.addf %logistic3A_317, %logistic3A_315 : vector<1024x64xf32>
    %logistic3A_319 = arith.divf %logistic3A_317, %logistic3A_318 : vector<1024x64xf32>
    %mul3A_320 = arith.mulf %logistic3A_312, %slice3A_305 : vector<1024x64xf32>
    %add3A_321 = arith.addf %slice3A_302, %mul3A_320 : vector<1024x64xf32>
    %tanh3A_322 = math.tanh %add3A_321 : vector<1024x64xf32>
    %sub3A_323 = arith.constant 1.000000e+00 : f32
    %sub3A_324 = vector.broadcast %sub3A_323 : f32 to vector<1024x64xf32>
    %sub3A_325 = arith.subf %sub3A_324, %logistic3A_319 : vector<1024x64xf32>
    %mul3A_326 = arith.mulf %sub3A_325, %tanh3A_322 : vector<1024x64xf32>
    %mul3A_327 = arith.mulf %logistic3A_319, %slice3A_224 : vector<1024x64xf32>
    %add3A_328 = arith.addf %mul3A_326, %mul3A_327 : vector<1024x64xf32>
    %concatenate3A_329 = tpu.concatenate %add3A_276, %add3A_328 in 1 : vector<1024x64xf32>, vector<1024x64xf32> -> vector<1024x128xf32>
    %swap3A_330 = arith.constant 2048 : index
    %swap3A_331 = arith.constant 0 : index
    %swap3A_332 = vector.load %arg12[%swap3A_330, %swap3A_331] : memref<8192x128xf32, #tpu.memory_space<vmem>>, vector<1024x128xf32>
    tpu.vector_store %arg12[%swap3A_330, %swap3A_331], %concatenate3A_329 {strides = array<i32>} : memref<8192x128xf32, #tpu.memory_space<vmem>>, vector<1024x128xf32>,
    %get3A_333 = arith.constant 3072 : index
    %get3A_334 = arith.constant 0 : index
    %get3A_335 = vector.load %arg12[%get3A_333, %get3A_334] : memref<8192x128xf32, #tpu.memory_space<vmem>>, vector<1024x128xf32>
    %slice3A_336 = vector.extract_strided_slice %get3A_335 {offsets = [0, 0], sizes = [1024, 64], strides = [1, 1]} : vector<1024x128xf32> to vector<1024x64xf32>
    %slice3A_337 = vector.extract_strided_slice %get3A_335 {offsets = [0, 64], sizes = [1024, 64], strides = [1, 1]} : vector<1024x128xf32> to vector<1024x64xf32>
    %get3A_338 = arith.constant 3072 : index
    %get3A_339 = arith.constant 0 : index
    %get3A_340 = vector.load %arg3[%get3A_338, %get3A_339] : memref<8192x160xf32, #tpu.memory_space<vmem>>, vector<1024x160xf32>
    %get3A_341 = arith.constant 0 : index
    %get3A_342 = arith.constant 0 : index
    %get3A_343 = vector.load %arg5[%get3A_341, %get3A_342] : memref<160x192xf32, #tpu.memory_space<vmem>>, vector<160x192xf32>
    %dot_general3A_344 = arith.constant dense<0.000000e+00> : vector<1024x192xf32>
    %dot_general3A_345 = tpu.matmul %get3A_340, %get3A_343, %dot_general3A_344 {dimension_numbers = #tpu.dot_dimension_numbers<[1], [0], [0], [1], [0, 0, 1, 1], [], []>, precision = #tpu.contract_precision<fp32>, transpose_lhs_hint = false} : vector<1024x160xf32>, vector<160x192xf32>, vector<1024x192xf32> -> vector<1024x192xf32>
    %get3A_346 = arith.constant 0 : index
    %get3A_347 = arith.constant 0 : index
    %get3A_348 = vector.load %arg7[%get3A_346, %get3A_347] : memref<1x192xf32, #tpu.memory_space<vmem>>, vector<1x192xf32>
    %add3A_349 = vector.broadcast %get3A_348 : vector<1x192xf32> to vector<1024x192xf32>
    %add3A_350 = arith.addf %dot_general3A_345, %add3A_349 : vector<1024x192xf32>
    %get3A_351 = arith.constant 0 : index
    %get3A_352 = arith.constant 0 : index
    %get3A_353 = vector.load %arg6[%get3A_351, %get3A_352] : memref<64x192xf32, #tpu.memory_space<vmem>>, vector<64x192xf32>
    %dot_general3A_354 = arith.constant dense<0.000000e+00> : vector<1024x192xf32>
    %dot_general3A_355 = tpu.matmul %slice3A_336, %get3A_353, %dot_general3A_354 {dimension_numbers = #tpu.dot_dimension_numbers<[1], [0], [0], [1], [0, 0, 1, 1], [], []>, precision = #tpu.contract_precision<fp32>, transpose_lhs_hint = false} : vector<1024x64xf32>, vector<64x192xf32>, vector<1024x192xf32> -> vector<1024x192xf32>
    %get3A_356 = arith.constant 0 : index
    %get3A_357 = arith.constant 0 : index
    %get3A_358 = vector.load %arg8[%get3A_356, %get3A_357] : memref<1x192xf32, #tpu.memory_space<vmem>>, vector<1x192xf32>
    %add3A_359 = vector.broadcast %get3A_358 : vector<1x192xf32> to vector<1024x192xf32>
    %add3A_360 = arith.addf %dot_general3A_355, %add3A_359 : vector<1024x192xf32>
    %slice3A_361 = vector.extract_strided_slice %add3A_350 {offsets = [0, 0], sizes = [1024, 64], strides = [1, 1]} : vector<1024x192xf32> to vector<1024x64xf32>
    %slice3A_362 = vector.extract_strided_slice %add3A_350 {offsets = [0, 64], sizes = [1024, 64], strides = [1, 1]} : vector<1024x192xf32> to vector<1024x64xf32>
    %slice3A_363 = vector.extract_strided_slice %add3A_350 {offsets = [0, 128], sizes = [1024, 64], strides = [1, 1]} : vector<1024x192xf32> to vector<1024x64xf32>
    %slice3A_364 = vector.extract_strided_slice %add3A_360 {offsets = [0, 0], sizes = [1024, 64], strides = [1, 1]} : vector<1024x192xf32> to vector<1024x64xf32>
    %slice3A_365 = vector.extract_strided_slice %add3A_360 {offsets = [0, 64], sizes = [1024, 64], strides = [1, 1]} : vector<1024x192xf32> to vector<1024x64xf32>
    %slice3A_366 = vector.extract_strided_slice %add3A_360 {offsets = [0, 128], sizes = [1024, 64], strides = [1, 1]} : vector<1024x192xf32> to vector<1024x64xf32>
    %add3A_367 = arith.addf %slice3A_361, %slice3A_364 : vector<1024x64xf32>
    %logistic3A_368 = arith.negf %add3A_367 : vector<1024x64xf32>
    %logistic3A_369 = math.exp %logistic3A_368 : vector<1024x64xf32>
    %logistic3A_370 = arith.constant 1.000000e+00 : f32
    %logistic3A_371 = vector.broadcast %logistic3A_370 : f32 to vector<1024x64xf32>
    %logistic3A_372 = arith.addf %logistic3A_371, %logistic3A_369 : vector<1024x64xf32>
    %logistic3A_373 = arith.divf %logistic3A_371, %logistic3A_372 : vector<1024x64xf32>
    %add3A_374 = arith.addf %slice3A_362, %slice3A_365 : vector<1024x64xf32>
    %logistic3A_375 = arith.negf %add3A_374 : vector<1024x64xf32>
    %logistic3A_376 = math.exp %logistic3A_375 : vector<1024x64xf32>
    %logistic3A_377 = arith.constant 1.000000e+00 : f32
    %logistic3A_378 = vector.broadcast %logistic3A_377 : f32 to vector<1024x64xf32>
    %logistic3A_379 = arith.addf %logistic3A_378, %logistic3A_376 : vector<1024x64xf32>
    %logistic3A_380 = arith.divf %logistic3A_378, %logistic3A_379 : vector<1024x64xf32>
    %mul3A_381 = arith.mulf %logistic3A_373, %slice3A_366 : vector<1024x64xf32>
    %add3A_382 = arith.addf %slice3A_363, %mul3A_381 : vector<1024x64xf32>
    %tanh3A_383 = math.tanh %add3A_382 : vector<1024x64xf32>
    %sub3A_384 = arith.constant 1.000000e+00 : f32
    %sub3A_385 = vector.broadcast %sub3A_384 : f32 to vector<1024x64xf32>
    %sub3A_386 = arith.subf %sub3A_385, %logistic3A_380 : vector<1024x64xf32>
    %mul3A_387 = arith.mulf %sub3A_386, %tanh3A_383 : vector<1024x64xf32>
    %mul3A_388 = arith.mulf %logistic3A_380, %slice3A_336 : vector<1024x64xf32>
    %add3A_389 = arith.addf %mul3A_387, %mul3A_388 : vector<1024x64xf32>
    %get3A_390 = arith.constant 3072 : index
    %get3A_391 = arith.constant 0 : index
    %get3A_392 = vector.load %arg4[%get3A_390, %get3A_391] : memref<8192x160xf32, #tpu.memory_space<vmem>>, vector<1024x160xf32>
    %get3A_393 = arith.constant 0 : index
    %get3A_394 = arith.constant 0 : index
    %get3A_395 = vector.load %arg5[%get3A_393, %get3A_394] : memref<160x192xf32, #tpu.memory_space<vmem>>, vector<160x192xf32>
    %dot_general3A_396 = arith.constant dense<0.000000e+00> : vector<1024x192xf32>
    %dot_general3A_397 = tpu.matmul %get3A_392, %get3A_395, %dot_general3A_396 {dimension_numbers = #tpu.dot_dimension_numbers<[1], [0], [0], [1], [0, 0, 1, 1], [], []>, precision = #tpu.contract_precision<fp32>, transpose_lhs_hint = false} : vector<1024x160xf32>, vector<160x192xf32>, vector<1024x192xf32> -> vector<1024x192xf32>
    %get3A_398 = arith.constant 0 : index
    %get3A_399 = arith.constant 0 : index
    %get3A_400 = vector.load %arg7[%get3A_398, %get3A_399] : memref<1x192xf32, #tpu.memory_space<vmem>>, vector<1x192xf32>
    %add3A_401 = vector.broadcast %get3A_400 : vector<1x192xf32> to vector<1024x192xf32>
    %add3A_402 = arith.addf %dot_general3A_397, %add3A_401 : vector<1024x192xf32>
    %get3A_403 = arith.constant 0 : index
    %get3A_404 = arith.constant 0 : index
    %get3A_405 = vector.load %arg6[%get3A_403, %get3A_404] : memref<64x192xf32, #tpu.memory_space<vmem>>, vector<64x192xf32>
    %dot_general3A_406 = arith.constant dense<0.000000e+00> : vector<1024x192xf32>
    %dot_general3A_407 = tpu.matmul %slice3A_337, %get3A_405, %dot_general3A_406 {dimension_numbers = #tpu.dot_dimension_numbers<[1], [0], [0], [1], [0, 0, 1, 1], [], []>, precision = #tpu.contract_precision<fp32>, transpose_lhs_hint = false} : vector<1024x64xf32>, vector<64x192xf32>, vector<1024x192xf32> -> vector<1024x192xf32>
    %get3A_408 = arith.constant 0 : index
    %get3A_409 = arith.constant 0 : index
    %get3A_410 = vector.load %arg8[%get3A_408, %get3A_409] : memref<1x192xf32, #tpu.memory_space<vmem>>, vector<1x192xf32>
    %add3A_411 = vector.broadcast %get3A_410 : vector<1x192xf32> to vector<1024x192xf32>
    %add3A_412 = arith.addf %dot_general3A_407, %add3A_411 : vector<1024x192xf32>
    %slice3A_413 = vector.extract_strided_slice %add3A_402 {offsets = [0, 0], sizes = [1024, 64], strides = [1, 1]} : vector<1024x192xf32> to vector<1024x64xf32>
    %slice3A_414 = vector.extract_strided_slice %add3A_402 {offsets = [0, 64], sizes = [1024, 64], strides = [1, 1]} : vector<1024x192xf32> to vector<1024x64xf32>
    %slice3A_415 = vector.extract_strided_slice %add3A_402 {offsets = [0, 128], sizes = [1024, 64], strides = [1, 1]} : vector<1024x192xf32> to vector<1024x64xf32>
    %slice3A_416 = vector.extract_strided_slice %add3A_412 {offsets = [0, 0], sizes = [1024, 64], strides = [1, 1]} : vector<1024x192xf32> to vector<1024x64xf32>
    %slice3A_417 = vector.extract_strided_slice %add3A_412 {offsets = [0, 64], sizes = [1024, 64], strides = [1, 1]} : vector<1024x192xf32> to vector<1024x64xf32>
    %slice3A_418 = vector.extract_strided_slice %add3A_412 {offsets = [0, 128], sizes = [1024, 64], strides = [1, 1]} : vector<1024x192xf32> to vector<1024x64xf32>
    %add3A_419 = arith.addf %slice3A_413, %slice3A_416 : vector<1024x64xf32>
    %logistic3A_420 = arith.negf %add3A_419 : vector<1024x64xf32>
    %logistic3A_421 = math.exp %logistic3A_420 : vector<1024x64xf32>
    %logistic3A_422 = arith.constant 1.000000e+00 : f32
    %logistic3A_423 = vector.broadcast %logistic3A_422 : f32 to vector<1024x64xf32>
    %logistic3A_424 = arith.addf %logistic3A_423, %logistic3A_421 : vector<1024x64xf32>
    %logistic3A_425 = arith.divf %logistic3A_423, %logistic3A_424 : vector<1024x64xf32>
    %add3A_426 = arith.addf %slice3A_414, %slice3A_417 : vector<1024x64xf32>
    %logistic3A_427 = arith.negf %add3A_426 : vector<1024x64xf32>
    %logistic3A_428 = math.exp %logistic3A_427 : vector<1024x64xf32>
    %logistic3A_429 = arith.constant 1.000000e+00 : f32
    %logistic3A_430 = vector.broadcast %logistic3A_429 : f32 to vector<1024x64xf32>
    %logistic3A_431 = arith.addf %logistic3A_430, %logistic3A_428 : vector<1024x64xf32>
    %logistic3A_432 = arith.divf %logistic3A_430, %logistic3A_431 : vector<1024x64xf32>
    %mul3A_433 = arith.mulf %logistic3A_425, %slice3A_418 : vector<1024x64xf32>
    %add3A_434 = arith.addf %slice3A_415, %mul3A_433 : vector<1024x64xf32>
    %tanh3A_435 = math.tanh %add3A_434 : vector<1024x64xf32>
    %sub3A_436 = arith.constant 1.000000e+00 : f32
    %sub3A_437 = vector.broadcast %sub3A_436 : f32 to vector<1024x64xf32>
    %sub3A_438 = arith.subf %sub3A_437, %logistic3A_432 : vector<1024x64xf32>
    %mul3A_439 = arith.mulf %sub3A_438, %tanh3A_435 : vector<1024x64xf32>
    %mul3A_440 = arith.mulf %logistic3A_432, %slice3A_337 : vector<1024x64xf32>
    %add3A_441 = arith.addf %mul3A_439, %mul3A_440 : vector<1024x64xf32>
    %concatenate3A_442 = tpu.concatenate %add3A_389, %add3A_441 in 1 : vector<1024x64xf32>, vector<1024x64xf32> -> vector<1024x128xf32>
    %swap3A_443 = arith.constant 3072 : index
    %swap3A_444 = arith.constant 0 : index
    %swap3A_445 = vector.load %arg12[%swap3A_443, %swap3A_444] : memref<8192x128xf32, #tpu.memory_space<vmem>>, vector<1024x128xf32>
    tpu.vector_store %arg12[%swap3A_443, %swap3A_444], %concatenate3A_442 {strides = array<i32>} : memref<8192x128xf32, #tpu.memory_space<vmem>>, vector<1024x128xf32>,
    %get3A_446 = arith.constant 4096 : index
    %get3A_447 = arith.constant 0 : index
    %get3A_448 = vector.load %arg12[%get3A_446, %get3A_447] : memref<8192x128xf32, #tpu.memory_space<vmem>>, vector<1024x128xf32>
    %slice3A_449 = vector.extract_strided_slice %get3A_448 {offsets = [0, 0], sizes = [1024, 64], strides = [1, 1]} : vector<1024x128xf32> to vector<1024x64xf32>
    %slice3A_450 = vector.extract_strided_slice %get3A_448 {offsets = [0, 64], sizes = [1024, 64], strides = [1, 1]} : vector<1024x128xf32> to vector<1024x64xf32>
    %get3A_451 = arith.constant 4096 : index
    %get3A_452 = arith.constant 0 : index
    %get3A_453 = vector.load %arg3[%get3A_451, %get3A_452] : memref<8192x160xf32, #tpu.memory_space<vmem>>, vector<1024x160xf32>
    %get3A_454 = arith.constant 0 : index
    %get3A_455 = arith.constant 0 : index
    %get3A_456 = vector.load %arg5[%get3A_454, %get3A_455] : memref<160x192xf32, #tpu.memory_space<vmem>>, vector<160x192xf32>
    %dot_general3A_457 = arith.constant dense<0.000000e+00> : vector<1024x192xf32>
    %dot_general3A_458 = tpu.matmul %get3A_453, %get3A_456, %dot_general3A_457 {dimension_numbers = #tpu.dot_dimension_numbers<[1], [0], [0], [1], [0, 0, 1, 1], [], []>, precision = #tpu.contract_precision<fp32>, transpose_lhs_hint = false} : vector<1024x160xf32>, vector<160x192xf32>, vector<1024x192xf32> -> vector<1024x192xf32>
    %get3A_459 = arith.constant 0 : index
    %get3A_460 = arith.constant 0 : index
    %get3A_461 = vector.load %arg7[%get3A_459, %get3A_460] : memref<1x192xf32, #tpu.memory_space<vmem>>, vector<1x192xf32>
    %add3A_462 = vector.broadcast %get3A_461 : vector<1x192xf32> to vector<1024x192xf32>
    %add3A_463 = arith.addf %dot_general3A_458, %add3A_462 : vector<1024x192xf32>
    %get3A_464 = arith.constant 0 : index
    %get3A_465 = arith.constant 0 : index
    %get3A_466 = vector.load %arg6[%get3A_464, %get3A_465] : memref<64x192xf32, #tpu.memory_space<vmem>>, vector<64x192xf32>
    %dot_general3A_467 = arith.constant dense<0.000000e+00> : vector<1024x192xf32>
    %dot_general3A_468 = tpu.matmul %slice3A_449, %get3A_466, %dot_general3A_467 {dimension_numbers = #tpu.dot_dimension_numbers<[1], [0], [0], [1], [0, 0, 1, 1], [], []>, precision = #tpu.contract_precision<fp32>, transpose_lhs_hint = false} : vector<1024x64xf32>, vector<64x192xf32>, vector<1024x192xf32> -> vector<1024x192xf32>
    %get3A_469 = arith.constant 0 : index
    %get3A_470 = arith.constant 0 : index
    %get3A_471 = vector.load %arg8[%get3A_469, %get3A_470] : memref<1x192xf32, #tpu.memory_space<vmem>>, vector<1x192xf32>
    %add3A_472 = vector.broadcast %get3A_471 : vector<1x192xf32> to vector<1024x192xf32>
    %add3A_473 = arith.addf %dot_general3A_468, %add3A_472 : vector<1024x192xf32>
    %slice3A_474 = vector.extract_strided_slice %add3A_463 {offsets = [0, 0], sizes = [1024, 64], strides = [1, 1]} : vector<1024x192xf32> to vector<1024x64xf32>
    %slice3A_475 = vector.extract_strided_slice %add3A_463 {offsets = [0, 64], sizes = [1024, 64], strides = [1, 1]} : vector<1024x192xf32> to vector<1024x64xf32>
    %slice3A_476 = vector.extract_strided_slice %add3A_463 {offsets = [0, 128], sizes = [1024, 64], strides = [1, 1]} : vector<1024x192xf32> to vector<1024x64xf32>
    %slice3A_477 = vector.extract_strided_slice %add3A_473 {offsets = [0, 0], sizes = [1024, 64], strides = [1, 1]} : vector<1024x192xf32> to vector<1024x64xf32>
    %slice3A_478 = vector.extract_strided_slice %add3A_473 {offsets = [0, 64], sizes = [1024, 64], strides = [1, 1]} : vector<1024x192xf32> to vector<1024x64xf32>
    %slice3A_479 = vector.extract_strided_slice %add3A_473 {offsets = [0, 128], sizes = [1024, 64], strides = [1, 1]} : vector<1024x192xf32> to vector<1024x64xf32>
    %add3A_480 = arith.addf %slice3A_474, %slice3A_477 : vector<1024x64xf32>
    %logistic3A_481 = arith.negf %add3A_480 : vector<1024x64xf32>
    %logistic3A_482 = math.exp %logistic3A_481 : vector<1024x64xf32>
    %logistic3A_483 = arith.constant 1.000000e+00 : f32
    %logistic3A_484 = vector.broadcast %logistic3A_483 : f32 to vector<1024x64xf32>
    %logistic3A_485 = arith.addf %logistic3A_484, %logistic3A_482 : vector<1024x64xf32>
    %logistic3A_486 = arith.divf %logistic3A_484, %logistic3A_485 : vector<1024x64xf32>
    %add3A_487 = arith.addf %slice3A_475, %slice3A_478 : vector<1024x64xf32>
    %logistic3A_488 = arith.negf %add3A_487 : vector<1024x64xf32>
    %logistic3A_489 = math.exp %logistic3A_488 : vector<1024x64xf32>
    %logistic3A_490 = arith.constant 1.000000e+00 : f32
    %logistic3A_491 = vector.broadcast %logistic3A_490 : f32 to vector<1024x64xf32>
    %logistic3A_492 = arith.addf %logistic3A_491, %logistic3A_489 : vector<1024x64xf32>
    %logistic3A_493 = arith.divf %logistic3A_491, %logistic3A_492 : vector<1024x64xf32>
    %mul3A_494 = arith.mulf %logistic3A_486, %slice3A_479 : vector<1024x64xf32>
    %add3A_495 = arith.addf %slice3A_476, %mul3A_494 : vector<1024x64xf32>
    %tanh3A_496 = math.tanh %add3A_495 : vector<1024x64xf32>
    %sub3A_497 = arith.constant 1.000000e+00 : f32
    %sub3A_498 = vector.broadcast %sub3A_497 : f32 to vector<1024x64xf32>
    %sub3A_499 = arith.subf %sub3A_498, %logistic3A_493 : vector<1024x64xf32>
    %mul3A_500 = arith.mulf %sub3A_499, %tanh3A_496 : vector<1024x64xf32>
    %mul3A_501 = arith.mulf %logistic3A_493, %slice3A_449 : vector<1024x64xf32>
    %add3A_502 = arith.addf %mul3A_500, %mul3A_501 : vector<1024x64xf32>
    %get3A_503 = arith.constant 4096 : index
    %get3A_504 = arith.constant 0 : index
    %get3A_505 = vector.load %arg4[%get3A_503, %get3A_504] : memref<8192x160xf32, #tpu.memory_space<vmem>>, vector<1024x160xf32>
    %get3A_506 = arith.constant 0 : index
    %get3A_507 = arith.constant 0 : index
    %get3A_508 = vector.load %arg5[%get3A_506, %get3A_507] : memref<160x192xf32, #tpu.memory_space<vmem>>, vector<160x192xf32>
    %dot_general3A_509 = arith.constant dense<0.000000e+00> : vector<1024x192xf32>
    %dot_general3A_510 = tpu.matmul %get3A_505, %get3A_508, %dot_general3A_509 {dimension_numbers = #tpu.dot_dimension_numbers<[1], [0], [0], [1], [0, 0, 1, 1], [], []>, precision = #tpu.contract_precision<fp32>, transpose_lhs_hint = false} : vector<1024x160xf32>, vector<160x192xf32>, vector<1024x192xf32> -> vector<1024x192xf32>
    %get3A_511 = arith.constant 0 : index
    %get3A_512 = arith.constant 0 : index
    %get3A_513 = vector.load %arg7[%get3A_511, %get3A_512] : memref<1x192xf32, #tpu.memory_space<vmem>>, vector<1x192xf32>
    %add3A_514 = vector.broadcast %get3A_513 : vector<1x192xf32> to vector<1024x192xf32>
    %add3A_515 = arith.addf %dot_general3A_510, %add3A_514 : vector<1024x192xf32>
    %get3A_516 = arith.constant 0 : index
    %get3A_517 = arith.constant 0 : index
    %get3A_518 = vector.load %arg6[%get3A_516, %get3A_517] : memref<64x192xf32, #tpu.memory_space<vmem>>, vector<64x192xf32>
    %dot_general3A_519 = arith.constant dense<0.000000e+00> : vector<1024x192xf32>
    %dot_general3A_520 = tpu.matmul %slice3A_450, %get3A_518, %dot_general3A_519 {dimension_numbers = #tpu.dot_dimension_numbers<[1], [0], [0], [1], [0, 0, 1, 1], [], []>, precision = #tpu.contract_precision<fp32>, transpose_lhs_hint = false} : vector<1024x64xf32>, vector<64x192xf32>, vector<1024x192xf32> -> vector<1024x192xf32>
    %get3A_521 = arith.constant 0 : index
    %get3A_522 = arith.constant 0 : index
    %get3A_523 = vector.load %arg8[%get3A_521, %get3A_522] : memref<1x192xf32, #tpu.memory_space<vmem>>, vector<1x192xf32>
    %add3A_524 = vector.broadcast %get3A_523 : vector<1x192xf32> to vector<1024x192xf32>
    %add3A_525 = arith.addf %dot_general3A_520, %add3A_524 : vector<1024x192xf32>
    %slice3A_526 = vector.extract_strided_slice %add3A_515 {offsets = [0, 0], sizes = [1024, 64], strides = [1, 1]} : vector<1024x192xf32> to vector<1024x64xf32>
    %slice3A_527 = vector.extract_strided_slice %add3A_515 {offsets = [0, 64], sizes = [1024, 64], strides = [1, 1]} : vector<1024x192xf32> to vector<1024x64xf32>
    %slice3A_528 = vector.extract_strided_slice %add3A_515 {offsets = [0, 128], sizes = [1024, 64], strides = [1, 1]} : vector<1024x192xf32> to vector<1024x64xf32>
    %slice3A_529 = vector.extract_strided_slice %add3A_525 {offsets = [0, 0], sizes = [1024, 64], strides = [1, 1]} : vector<1024x192xf32> to vector<1024x64xf32>
    %slice3A_530 = vector.extract_strided_slice %add3A_525 {offsets = [0, 64], sizes = [1024, 64], strides = [1, 1]} : vector<1024x192xf32> to vector<1024x64xf32>
    %slice3A_531 = vector.extract_strided_slice %add3A_525 {offsets = [0, 128], sizes = [1024, 64], strides = [1, 1]} : vector<1024x192xf32> to vector<1024x64xf32>
    %add3A_532 = arith.addf %slice3A_526, %slice3A_529 : vector<1024x64xf32>
    %logistic3A_533 = arith.negf %add3A_532 : vector<1024x64xf32>
    %logistic3A_534 = math.exp %logistic3A_533 : vector<1024x64xf32>
    %logistic3A_535 = arith.constant 1.000000e+00 : f32
    %logistic3A_536 = vector.broadcast %logistic3A_535 : f32 to vector<1024x64xf32>
    %logistic3A_537 = arith.addf %logistic3A_536, %logistic3A_534 : vector<1024x64xf32>
    %logistic3A_538 = arith.divf %logistic3A_536, %logistic3A_537 : vector<1024x64xf32>
    %add3A_539 = arith.addf %slice3A_527, %slice3A_530 : vector<1024x64xf32>
    %logistic3A_540 = arith.negf %add3A_539 : vector<1024x64xf32>
    %logistic3A_541 = math.exp %logistic3A_540 : vector<1024x64xf32>
    %logistic3A_542 = arith.constant 1.000000e+00 : f32
    %logistic3A_543 = vector.broadcast %logistic3A_542 : f32 to vector<1024x64xf32>
    %logistic3A_544 = arith.addf %logistic3A_543, %logistic3A_541 : vector<1024x64xf32>
    %logistic3A_545 = arith.divf %logistic3A_543, %logistic3A_544 : vector<1024x64xf32>
    %mul3A_546 = arith.mulf %logistic3A_538, %slice3A_531 : vector<1024x64xf32>
    %add3A_547 = arith.addf %slice3A_528, %mul3A_546 : vector<1024x64xf32>
    %tanh3A_548 = math.tanh %add3A_547 : vector<1024x64xf32>
    %sub3A_549 = arith.constant 1.000000e+00 : f32
    %sub3A_550 = vector.broadcast %sub3A_549 : f32 to vector<1024x64xf32>
    %sub3A_551 = arith.subf %sub3A_550, %logistic3A_545 : vector<1024x64xf32>
    %mul3A_552 = arith.mulf %sub3A_551, %tanh3A_548 : vector<1024x64xf32>
    %mul3A_553 = arith.mulf %logistic3A_545, %slice3A_450 : vector<1024x64xf32>
    %add3A_554 = arith.addf %mul3A_552, %mul3A_553 : vector<1024x64xf32>
    %concatenate3A_555 = tpu.concatenate %add3A_502, %add3A_554 in 1 : vector<1024x64xf32>, vector<1024x64xf32> -> vector<1024x128xf32>
    %swap3A_556 = arith.constant 4096 : index
    %swap3A_557 = arith.constant 0 : index
    %swap3A_558 = vector.load %arg12[%swap3A_556, %swap3A_557] : memref<8192x128xf32, #tpu.memory_space<vmem>>, vector<1024x128xf32>
    tpu.vector_store %arg12[%swap3A_556, %swap3A_557], %concatenate3A_555 {strides = array<i32>} : memref<8192x128xf32, #tpu.memory_space<vmem>>, vector<1024x128xf32>,
    %get3A_559 = arith.constant 5120 : index
    %get3A_560 = arith.constant 0 : index
    %get3A_561 = vector.load %arg12[%get3A_559, %get3A_560] : memref<8192x128xf32, #tpu.memory_space<vmem>>, vector<1024x128xf32>
    %slice3A_562 = vector.extract_strided_slice %get3A_561 {offsets = [0, 0], sizes = [1024, 64], strides = [1, 1]} : vector<1024x128xf32> to vector<1024x64xf32>
    %slice3A_563 = vector.extract_strided_slice %get3A_561 {offsets = [0, 64], sizes = [1024, 64], strides = [1, 1]} : vector<1024x128xf32> to vector<1024x64xf32>
    %get3A_564 = arith.constant 5120 : index
    %get3A_565 = arith.constant 0 : index
    %get3A_566 = vector.load %arg3[%get3A_564, %get3A_565] : memref<8192x160xf32, #tpu.memory_space<vmem>>, vector<1024x160xf32>
    %get3A_567 = arith.constant 0 : index
    %get3A_568 = arith.constant 0 : index
    %get3A_569 = vector.load %arg5[%get3A_567, %get3A_568] : memref<160x192xf32, #tpu.memory_space<vmem>>, vector<160x192xf32>
    %dot_general3A_570 = arith.constant dense<0.000000e+00> : vector<1024x192xf32>
    %dot_general3A_571 = tpu.matmul %get3A_566, %get3A_569, %dot_general3A_570 {dimension_numbers = #tpu.dot_dimension_numbers<[1], [0], [0], [1], [0, 0, 1, 1], [], []>, precision = #tpu.contract_precision<fp32>, transpose_lhs_hint = false} : vector<1024x160xf32>, vector<160x192xf32>, vector<1024x192xf32> -> vector<1024x192xf32>
    %get3A_572 = arith.constant 0 : index
    %get3A_573 = arith.constant 0 : index
    %get3A_574 = vector.load %arg7[%get3A_572, %get3A_573] : memref<1x192xf32, #tpu.memory_space<vmem>>, vector<1x192xf32>
    %add3A_575 = vector.broadcast %get3A_574 : vector<1x192xf32> to vector<1024x192xf32>
    %add3A_576 = arith.addf %dot_general3A_571, %add3A_575 : vector<1024x192xf32>
    %get3A_577 = arith.constant 0 : index
    %get3A_578 = arith.constant 0 : index
    %get3A_579 = vector.load %arg6[%get3A_577, %get3A_578] : memref<64x192xf32, #tpu.memory_space<vmem>>, vector<64x192xf32>
    %dot_general3A_580 = arith.constant dense<0.000000e+00> : vector<1024x192xf32>
    %dot_general3A_581 = tpu.matmul %slice3A_562, %get3A_579, %dot_general3A_580 {dimension_numbers = #tpu.dot_dimension_numbers<[1], [0], [0], [1], [0, 0, 1, 1], [], []>, precision = #tpu.contract_precision<fp32>, transpose_lhs_hint = false} : vector<1024x64xf32>, vector<64x192xf32>, vector<1024x192xf32> -> vector<1024x192xf32>
    %get3A_582 = arith.constant 0 : index
    %get3A_583 = arith.constant 0 : index
    %get3A_584 = vector.load %arg8[%get3A_582, %get3A_583] : memref<1x192xf32, #tpu.memory_space<vmem>>, vector<1x192xf32>
    %add3A_585 = vector.broadcast %get3A_584 : vector<1x192xf32> to vector<1024x192xf32>
    %add3A_586 = arith.addf %dot_general3A_581, %add3A_585 : vector<1024x192xf32>
    %slice3A_587 = vector.extract_strided_slice %add3A_576 {offsets = [0, 0], sizes = [1024, 64], strides = [1, 1]} : vector<1024x192xf32> to vector<1024x64xf32>
    %slice3A_588 = vector.extract_strided_slice %add3A_576 {offsets = [0, 64], sizes = [1024, 64], strides = [1, 1]} : vector<1024x192xf32> to vector<1024x64xf32>
    %slice3A_589 = vector.extract_strided_slice %add3A_576 {offsets = [0, 128], sizes = [1024, 64], strides = [1, 1]} : vector<1024x192xf32> to vector<1024x64xf32>
    %slice3A_590 = vector.extract_strided_slice %add3A_586 {offsets = [0, 0], sizes = [1024, 64], strides = [1, 1]} : vector<1024x192xf32> to vector<1024x64xf32>
    %slice3A_591 = vector.extract_strided_slice %add3A_586 {offsets = [0, 64], sizes = [1024, 64], strides = [1, 1]} : vector<1024x192xf32> to vector<1024x64xf32>
    %slice3A_592 = vector.extract_strided_slice %add3A_586 {offsets = [0, 128], sizes = [1024, 64], strides = [1, 1]} : vector<1024x192xf32> to vector<1024x64xf32>
    %add3A_593 = arith.addf %slice3A_587, %slice3A_590 : vector<1024x64xf32>
    %logistic3A_594 = arith.negf %add3A_593 : vector<1024x64xf32>
    %logistic3A_595 = math.exp %logistic3A_594 : vector<1024x64xf32>
    %logistic3A_596 = arith.constant 1.000000e+00 : f32
    %logistic3A_597 = vector.broadcast %logistic3A_596 : f32 to vector<1024x64xf32>
    %logistic3A_598 = arith.addf %logistic3A_597, %logistic3A_595 : vector<1024x64xf32>
    %logistic3A_599 = arith.divf %logistic3A_597, %logistic3A_598 : vector<1024x64xf32>
    %add3A_600 = arith.addf %slice3A_588, %slice3A_591 : vector<1024x64xf32>
    %logistic3A_601 = arith.negf %add3A_600 : vector<1024x64xf32>
    %logistic3A_602 = math.exp %logistic3A_601 : vector<1024x64xf32>
    %logistic3A_603 = arith.constant 1.000000e+00 : f32
    %logistic3A_604 = vector.broadcast %logistic3A_603 : f32 to vector<1024x64xf32>
    %logistic3A_605 = arith.addf %logistic3A_604, %logistic3A_602 : vector<1024x64xf32>
    %logistic3A_606 = arith.divf %logistic3A_604, %logistic3A_605 : vector<1024x64xf32>
    %mul3A_607 = arith.mulf %logistic3A_599, %slice3A_592 : vector<1024x64xf32>
    %add3A_608 = arith.addf %slice3A_589, %mul3A_607 : vector<1024x64xf32>
    %tanh3A_609 = math.tanh %add3A_608 : vector<1024x64xf32>
    %sub3A_610 = arith.constant 1.000000e+00 : f32
    %sub3A_611 = vector.broadcast %sub3A_610 : f32 to vector<1024x64xf32>
    %sub3A_612 = arith.subf %sub3A_611, %logistic3A_606 : vector<1024x64xf32>
    %mul3A_613 = arith.mulf %sub3A_612, %tanh3A_609 : vector<1024x64xf32>
    %mul3A_614 = arith.mulf %logistic3A_606, %slice3A_562 : vector<1024x64xf32>
    %add3A_615 = arith.addf %mul3A_613, %mul3A_614 : vector<1024x64xf32>
    %get3A_616 = arith.constant 5120 : index
    %get3A_617 = arith.constant 0 : index
    %get3A_618 = vector.load %arg4[%get3A_616, %get3A_617] : memref<8192x160xf32, #tpu.memory_space<vmem>>, vector<1024x160xf32>
    %get3A_619 = arith.constant 0 : index
    %get3A_620 = arith.constant 0 : index
    %get3A_621 = vector.load %arg5[%get3A_619, %get3A_620] : memref<160x192xf32, #tpu.memory_space<vmem>>, vector<160x192xf32>
    %dot_general3A_622 = arith.constant dense<0.000000e+00> : vector<1024x192xf32>
    %dot_general3A_623 = tpu.matmul %get3A_618, %get3A_621, %dot_general3A_622 {dimension_numbers = #tpu.dot_dimension_numbers<[1], [0], [0], [1], [0, 0, 1, 1], [], []>, precision = #tpu.contract_precision<fp32>, transpose_lhs_hint = false} : vector<1024x160xf32>, vector<160x192xf32>, vector<1024x192xf32> -> vector<1024x192xf32>
    %get3A_624 = arith.constant 0 : index
    %get3A_625 = arith.constant 0 : index
    %get3A_626 = vector.load %arg7[%get3A_624, %get3A_625] : memref<1x192xf32, #tpu.memory_space<vmem>>, vector<1x192xf32>
    %add3A_627 = vector.broadcast %get3A_626 : vector<1x192xf32> to vector<1024x192xf32>
    %add3A_628 = arith.addf %dot_general3A_623, %add3A_627 : vector<1024x192xf32>
    %get3A_629 = arith.constant 0 : index
    %get3A_630 = arith.constant 0 : index
    %get3A_631 = vector.load %arg6[%get3A_629, %get3A_630] : memref<64x192xf32, #tpu.memory_space<vmem>>, vector<64x192xf32>
    %dot_general3A_632 = arith.constant dense<0.000000e+00> : vector<1024x192xf32>
    %dot_general3A_633 = tpu.matmul %slice3A_563, %get3A_631, %dot_general3A_632 {dimension_numbers = #tpu.dot_dimension_numbers<[1], [0], [0], [1], [0, 0, 1, 1], [], []>, precision = #tpu.contract_precision<fp32>, transpose_lhs_hint = false} : vector<1024x64xf32>, vector<64x192xf32>, vector<1024x192xf32> -> vector<1024x192xf32>
    %get3A_634 = arith.constant 0 : index
    %get3A_635 = arith.constant 0 : index
    %get3A_636 = vector.load %arg8[%get3A_634, %get3A_635] : memref<1x192xf32, #tpu.memory_space<vmem>>, vector<1x192xf32>
    %add3A_637 = vector.broadcast %get3A_636 : vector<1x192xf32> to vector<1024x192xf32>
    %add3A_638 = arith.addf %dot_general3A_633, %add3A_637 : vector<1024x192xf32>
    %slice3A_639 = vector.extract_strided_slice %add3A_628 {offsets = [0, 0], sizes = [1024, 64], strides = [1, 1]} : vector<1024x192xf32> to vector<1024x64xf32>
    %slice3A_640 = vector.extract_strided_slice %add3A_628 {offsets = [0, 64], sizes = [1024, 64], strides = [1, 1]} : vector<1024x192xf32> to vector<1024x64xf32>
    %slice3A_641 = vector.extract_strided_slice %add3A_628 {offsets = [0, 128], sizes = [1024, 64], strides = [1, 1]} : vector<1024x192xf32> to vector<1024x64xf32>
    %slice3A_642 = vector.extract_strided_slice %add3A_638 {offsets = [0, 0], sizes = [1024, 64], strides = [1, 1]} : vector<1024x192xf32> to vector<1024x64xf32>
    %slice3A_643 = vector.extract_strided_slice %add3A_638 {offsets = [0, 64], sizes = [1024, 64], strides = [1, 1]} : vector<1024x192xf32> to vector<1024x64xf32>
    %slice3A_644 = vector.extract_strided_slice %add3A_638 {offsets = [0, 128], sizes = [1024, 64], strides = [1, 1]} : vector<1024x192xf32> to vector<1024x64xf32>
    %add3A_645 = arith.addf %slice3A_639, %slice3A_642 : vector<1024x64xf32>
    %logistic3A_646 = arith.negf %add3A_645 : vector<1024x64xf32>
    %logistic3A_647 = math.exp %logistic3A_646 : vector<1024x64xf32>
    %logistic3A_648 = arith.constant 1.000000e+00 : f32
    %logistic3A_649 = vector.broadcast %logistic3A_648 : f32 to vector<1024x64xf32>
    %logistic3A_650 = arith.addf %logistic3A_649, %logistic3A_647 : vector<1024x64xf32>
    %logistic3A_651 = arith.divf %logistic3A_649, %logistic3A_650 : vector<1024x64xf32>
    %add3A_652 = arith.addf %slice3A_640, %slice3A_643 : vector<1024x64xf32>
    %logistic3A_653 = arith.negf %add3A_652 : vector<1024x64xf32>
    %logistic3A_654 = math.exp %logistic3A_653 : vector<1024x64xf32>
    %logistic3A_655 = arith.constant 1.000000e+00 : f32
    %logistic3A_656 = vector.broadcast %logistic3A_655 : f32 to vector<1024x64xf32>
    %logistic3A_657 = arith.addf %logistic3A_656, %logistic3A_654 : vector<1024x64xf32>
    %logistic3A_658 = arith.divf %logistic3A_656, %logistic3A_657 : vector<1024x64xf32>
    %mul3A_659 = arith.mulf %logistic3A_651, %slice3A_644 : vector<1024x64xf32>
    %add3A_660 = arith.addf %slice3A_641, %mul3A_659 : vector<1024x64xf32>
    %tanh3A_661 = math.tanh %add3A_660 : vector<1024x64xf32>
    %sub3A_662 = arith.constant 1.000000e+00 : f32
    %sub3A_663 = vector.broadcast %sub3A_662 : f32 to vector<1024x64xf32>
    %sub3A_664 = arith.subf %sub3A_663, %logistic3A_658 : vector<1024x64xf32>
    %mul3A_665 = arith.mulf %sub3A_664, %tanh3A_661 : vector<1024x64xf32>
    %mul3A_666 = arith.mulf %logistic3A_658, %slice3A_563 : vector<1024x64xf32>
    %add3A_667 = arith.addf %mul3A_665, %mul3A_666 : vector<1024x64xf32>
    %concatenate3A_668 = tpu.concatenate %add3A_615, %add3A_667 in 1 : vector<1024x64xf32>, vector<1024x64xf32> -> vector<1024x128xf32>
    %swap3A_669 = arith.constant 5120 : index
    %swap3A_670 = arith.constant 0 : index
    %swap3A_671 = vector.load %arg12[%swap3A_669, %swap3A_670] : memref<8192x128xf32, #tpu.memory_space<vmem>>, vector<1024x128xf32>
    tpu.vector_store %arg12[%swap3A_669, %swap3A_670], %concatenate3A_668 {strides = array<i32>} : memref<8192x128xf32, #tpu.memory_space<vmem>>, vector<1024x128xf32>,
    %get3A_672 = arith.constant 6144 : index
    %get3A_673 = arith.constant 0 : index
    %get3A_674 = vector.load %arg12[%get3A_672, %get3A_673] : memref<8192x128xf32, #tpu.memory_space<vmem>>, vector<1024x128xf32>
    %slice3A_675 = vector.extract_strided_slice %get3A_674 {offsets = [0, 0], sizes = [1024, 64], strides = [1, 1]} : vector<1024x128xf32> to vector<1024x64xf32>
    %slice3A_676 = vector.extract_strided_slice %get3A_674 {offsets = [0, 64], sizes = [1024, 64], strides = [1, 1]} : vector<1024x128xf32> to vector<1024x64xf32>
    %get3A_677 = arith.constant 6144 : index
    %get3A_678 = arith.constant 0 : index
    %get3A_679 = vector.load %arg3[%get3A_677, %get3A_678] : memref<8192x160xf32, #tpu.memory_space<vmem>>, vector<1024x160xf32>
    %get3A_680 = arith.constant 0 : index
    %get3A_681 = arith.constant 0 : index
    %get3A_682 = vector.load %arg5[%get3A_680, %get3A_681] : memref<160x192xf32, #tpu.memory_space<vmem>>, vector<160x192xf32>
    %dot_general3A_683 = arith.constant dense<0.000000e+00> : vector<1024x192xf32>
    %dot_general3A_684 = tpu.matmul %get3A_679, %get3A_682, %dot_general3A_683 {dimension_numbers = #tpu.dot_dimension_numbers<[1], [0], [0], [1], [0, 0, 1, 1], [], []>, precision = #tpu.contract_precision<fp32>, transpose_lhs_hint = false} : vector<1024x160xf32>, vector<160x192xf32>, vector<1024x192xf32> -> vector<1024x192xf32>
    %get3A_685 = arith.constant 0 : index
    %get3A_686 = arith.constant 0 : index
    %get3A_687 = vector.load %arg7[%get3A_685, %get3A_686] : memref<1x192xf32, #tpu.memory_space<vmem>>, vector<1x192xf32>
    %add3A_688 = vector.broadcast %get3A_687 : vector<1x192xf32> to vector<1024x192xf32>
    %add3A_689 = arith.addf %dot_general3A_684, %add3A_688 : vector<1024x192xf32>
    %get3A_690 = arith.constant 0 : index
    %get3A_691 = arith.constant 0 : index
    %get3A_692 = vector.load %arg6[%get3A_690, %get3A_691] : memref<64x192xf32, #tpu.memory_space<vmem>>, vector<64x192xf32>
    %dot_general3A_693 = arith.constant dense<0.000000e+00> : vector<1024x192xf32>
    %dot_general3A_694 = tpu.matmul %slice3A_675, %get3A_692, %dot_general3A_693 {dimension_numbers = #tpu.dot_dimension_numbers<[1], [0], [0], [1], [0, 0, 1, 1], [], []>, precision = #tpu.contract_precision<fp32>, transpose_lhs_hint = false} : vector<1024x64xf32>, vector<64x192xf32>, vector<1024x192xf32> -> vector<1024x192xf32>
    %get3A_695 = arith.constant 0 : index
    %get3A_696 = arith.constant 0 : index
    %get3A_697 = vector.load %arg8[%get3A_695, %get3A_696] : memref<1x192xf32, #tpu.memory_space<vmem>>, vector<1x192xf32>
    %add3A_698 = vector.broadcast %get3A_697 : vector<1x192xf32> to vector<1024x192xf32>
    %add3A_699 = arith.addf %dot_general3A_694, %add3A_698 : vector<1024x192xf32>
    %slice3A_700 = vector.extract_strided_slice %add3A_689 {offsets = [0, 0], sizes = [1024, 64], strides = [1, 1]} : vector<1024x192xf32> to vector<1024x64xf32>
    %slice3A_701 = vector.extract_strided_slice %add3A_689 {offsets = [0, 64], sizes = [1024, 64], strides = [1, 1]} : vector<1024x192xf32> to vector<1024x64xf32>
    %slice3A_702 = vector.extract_strided_slice %add3A_689 {offsets = [0, 128], sizes = [1024, 64], strides = [1, 1]} : vector<1024x192xf32> to vector<1024x64xf32>
    %slice3A_703 = vector.extract_strided_slice %add3A_699 {offsets = [0, 0], sizes = [1024, 64], strides = [1, 1]} : vector<1024x192xf32> to vector<1024x64xf32>
    %slice3A_704 = vector.extract_strided_slice %add3A_699 {offsets = [0, 64], sizes = [1024, 64], strides = [1, 1]} : vector<1024x192xf32> to vector<1024x64xf32>
    %slice3A_705 = vector.extract_strided_slice %add3A_699 {offsets = [0, 128], sizes = [1024, 64], strides = [1, 1]} : vector<1024x192xf32> to vector<1024x64xf32>
    %add3A_706 = arith.addf %slice3A_700, %slice3A_703 : vector<1024x64xf32>
    %logistic3A_707 = arith.negf %add3A_706 : vector<1024x64xf32>
    %logistic3A_708 = math.exp %logistic3A_707 : vector<1024x64xf32>
    %logistic3A_709 = arith.constant 1.000000e+00 : f32
    %logistic3A_710 = vector.broadcast %logistic3A_709 : f32 to vector<1024x64xf32>
    %logistic3A_711 = arith.addf %logistic3A_710, %logistic3A_708 : vector<1024x64xf32>
    %logistic3A_712 = arith.divf %logistic3A_710, %logistic3A_711 : vector<1024x64xf32>
    %add3A_713 = arith.addf %slice3A_701, %slice3A_704 : vector<1024x64xf32>
    %logistic3A_714 = arith.negf %add3A_713 : vector<1024x64xf32>
    %logistic3A_715 = math.exp %logistic3A_714 : vector<1024x64xf32>
    %logistic3A_716 = arith.constant 1.000000e+00 : f32
    %logistic3A_717 = vector.broadcast %logistic3A_716 : f32 to vector<1024x64xf32>
    %logistic3A_718 = arith.addf %logistic3A_717, %logistic3A_715 : vector<1024x64xf32>
    %logistic3A_719 = arith.divf %logistic3A_717, %logistic3A_718 : vector<1024x64xf32>
    %mul3A_720 = arith.mulf %logistic3A_712, %slice3A_705 : vector<1024x64xf32>
    %add3A_721 = arith.addf %slice3A_702, %mul3A_720 : vector<1024x64xf32>
    %tanh3A_722 = math.tanh %add3A_721 : vector<1024x64xf32>
    %sub3A_723 = arith.constant 1.000000e+00 : f32
    %sub3A_724 = vector.broadcast %sub3A_723 : f32 to vector<1024x64xf32>
    %sub3A_725 = arith.subf %sub3A_724, %logistic3A_719 : vector<1024x64xf32>
    %mul3A_726 = arith.mulf %sub3A_725, %tanh3A_722 : vector<1024x64xf32>
    %mul3A_727 = arith.mulf %logistic3A_719, %slice3A_675 : vector<1024x64xf32>
    %add3A_728 = arith.addf %mul3A_726, %mul3A_727 : vector<1024x64xf32>
    %get3A_729 = arith.constant 6144 : index
    %get3A_730 = arith.constant 0 : index
    %get3A_731 = vector.load %arg4[%get3A_729, %get3A_730] : memref<8192x160xf32, #tpu.memory_space<vmem>>, vector<1024x160xf32>
    %get3A_732 = arith.constant 0 : index
    %get3A_733 = arith.constant 0 : index
    %get3A_734 = vector.load %arg5[%get3A_732, %get3A_733] : memref<160x192xf32, #tpu.memory_space<vmem>>, vector<160x192xf32>
    %dot_general3A_735 = arith.constant dense<0.000000e+00> : vector<1024x192xf32>
    %dot_general3A_736 = tpu.matmul %get3A_731, %get3A_734, %dot_general3A_735 {dimension_numbers = #tpu.dot_dimension_numbers<[1], [0], [0], [1], [0, 0, 1, 1], [], []>, precision = #tpu.contract_precision<fp32>, transpose_lhs_hint = false} : vector<1024x160xf32>, vector<160x192xf32>, vector<1024x192xf32> -> vector<1024x192xf32>
    %get3A_737 = arith.constant 0 : index
    %get3A_738 = arith.constant 0 : index
    %get3A_739 = vector.load %arg7[%get3A_737, %get3A_738] : memref<1x192xf32, #tpu.memory_space<vmem>>, vector<1x192xf32>
    %add3A_740 = vector.broadcast %get3A_739 : vector<1x192xf32> to vector<1024x192xf32>
    %add3A_741 = arith.addf %dot_general3A_736, %add3A_740 : vector<1024x192xf32>
    %get3A_742 = arith.constant 0 : index
    %get3A_743 = arith.constant 0 : index
    %get3A_744 = vector.load %arg6[%get3A_742, %get3A_743] : memref<64x192xf32, #tpu.memory_space<vmem>>, vector<64x192xf32>
    %dot_general3A_745 = arith.constant dense<0.000000e+00> : vector<1024x192xf32>
    %dot_general3A_746 = tpu.matmul %slice3A_676, %get3A_744, %dot_general3A_745 {dimension_numbers = #tpu.dot_dimension_numbers<[1], [0], [0], [1], [0, 0, 1, 1], [], []>, precision = #tpu.contract_precision<fp32>, transpose_lhs_hint = false} : vector<1024x64xf32>, vector<64x192xf32>, vector<1024x192xf32> -> vector<1024x192xf32>
    %get3A_747 = arith.constant 0 : index
    %get3A_748 = arith.constant 0 : index
    %get3A_749 = vector.load %arg8[%get3A_747, %get3A_748] : memref<1x192xf32, #tpu.memory_space<vmem>>, vector<1x192xf32>
    %add3A_750 = vector.broadcast %get3A_749 : vector<1x192xf32> to vector<1024x192xf32>
    %add3A_751 = arith.addf %dot_general3A_746, %add3A_750 : vector<1024x192xf32>
    %slice3A_752 = vector.extract_strided_slice %add3A_741 {offsets = [0, 0], sizes = [1024, 64], strides = [1, 1]} : vector<1024x192xf32> to vector<1024x64xf32>
    %slice3A_753 = vector.extract_strided_slice %add3A_741 {offsets = [0, 64], sizes = [1024, 64], strides = [1, 1]} : vector<1024x192xf32> to vector<1024x64xf32>
    %slice3A_754 = vector.extract_strided_slice %add3A_741 {offsets = [0, 128], sizes = [1024, 64], strides = [1, 1]} : vector<1024x192xf32> to vector<1024x64xf32>
    %slice3A_755 = vector.extract_strided_slice %add3A_751 {offsets = [0, 0], sizes = [1024, 64], strides = [1, 1]} : vector<1024x192xf32> to vector<1024x64xf32>
    %slice3A_756 = vector.extract_strided_slice %add3A_751 {offsets = [0, 64], sizes = [1024, 64], strides = [1, 1]} : vector<1024x192xf32> to vector<1024x64xf32>
    %slice3A_757 = vector.extract_strided_slice %add3A_751 {offsets = [0, 128], sizes = [1024, 64], strides = [1, 1]} : vector<1024x192xf32> to vector<1024x64xf32>
    %add3A_758 = arith.addf %slice3A_752, %slice3A_755 : vector<1024x64xf32>
    %logistic3A_759 = arith.negf %add3A_758 : vector<1024x64xf32>
    %logistic3A_760 = math.exp %logistic3A_759 : vector<1024x64xf32>
    %logistic3A_761 = arith.constant 1.000000e+00 : f32
    %logistic3A_762 = vector.broadcast %logistic3A_761 : f32 to vector<1024x64xf32>
    %logistic3A_763 = arith.addf %logistic3A_762, %logistic3A_760 : vector<1024x64xf32>
    %logistic3A_764 = arith.divf %logistic3A_762, %logistic3A_763 : vector<1024x64xf32>
    %add3A_765 = arith.addf %slice3A_753, %slice3A_756 : vector<1024x64xf32>
    %logistic3A_766 = arith.negf %add3A_765 : vector<1024x64xf32>
    %logistic3A_767 = math.exp %logistic3A_766 : vector<1024x64xf32>
    %logistic3A_768 = arith.constant 1.000000e+00 : f32
    %logistic3A_769 = vector.broadcast %logistic3A_768 : f32 to vector<1024x64xf32>
    %logistic3A_770 = arith.addf %logistic3A_769, %logistic3A_767 : vector<1024x64xf32>
    %logistic3A_771 = arith.divf %logistic3A_769, %logistic3A_770 : vector<1024x64xf32>
    %mul3A_772 = arith.mulf %logistic3A_764, %slice3A_757 : vector<1024x64xf32>
    %add3A_773 = arith.addf %slice3A_754, %mul3A_772 : vector<1024x64xf32>
    %tanh3A_774 = math.tanh %add3A_773 : vector<1024x64xf32>
    %sub3A_775 = arith.constant 1.000000e+00 : f32
    %sub3A_776 = vector.broadcast %sub3A_775 : f32 to vector<1024x64xf32>
    %sub3A_777 = arith.subf %sub3A_776, %logistic3A_771 : vector<1024x64xf32>
    %mul3A_778 = arith.mulf %sub3A_777, %tanh3A_774 : vector<1024x64xf32>
    %mul3A_779 = arith.mulf %logistic3A_771, %slice3A_676 : vector<1024x64xf32>
    %add3A_780 = arith.addf %mul3A_778, %mul3A_779 : vector<1024x64xf32>
    %concatenate3A_781 = tpu.concatenate %add3A_728, %add3A_780 in 1 : vector<1024x64xf32>, vector<1024x64xf32> -> vector<1024x128xf32>
    %swap3A_782 = arith.constant 6144 : index
    %swap3A_783 = arith.constant 0 : index
    %swap3A_784 = vector.load %arg12[%swap3A_782, %swap3A_783] : memref<8192x128xf32, #tpu.memory_space<vmem>>, vector<1024x128xf32>
    tpu.vector_store %arg12[%swap3A_782, %swap3A_783], %concatenate3A_781 {strides = array<i32>} : memref<8192x128xf32, #tpu.memory_space<vmem>>, vector<1024x128xf32>,
    %get3A_785 = arith.constant 7168 : index
    %get3A_786 = arith.constant 0 : index
    %get3A_787 = vector.load %arg12[%get3A_785, %get3A_786] : memref<8192x128xf32, #tpu.memory_space<vmem>>, vector<1024x128xf32>
    %slice3A_788 = vector.extract_strided_slice %get3A_787 {offsets = [0, 0], sizes = [1024, 64], strides = [1, 1]} : vector<1024x128xf32> to vector<1024x64xf32>
    %slice3A_789 = vector.extract_strided_slice %get3A_787 {offsets = [0, 64], sizes = [1024, 64], strides = [1, 1]} : vector<1024x128xf32> to vector<1024x64xf32>
    %get3A_790 = arith.constant 7168 : index
    %get3A_791 = arith.constant 0 : index
    %get3A_792 = vector.load %arg3[%get3A_790, %get3A_791] : memref<8192x160xf32, #tpu.memory_space<vmem>>, vector<1024x160xf32>
    %get3A_793 = arith.constant 0 : index
    %get3A_794 = arith.constant 0 : index
    %get3A_795 = vector.load %arg5[%get3A_793, %get3A_794] : memref<160x192xf32, #tpu.memory_space<vmem>>, vector<160x192xf32>
    %dot_general3A_796 = arith.constant dense<0.000000e+00> : vector<1024x192xf32>
    %dot_general3A_797 = tpu.matmul %get3A_792, %get3A_795, %dot_general3A_796 {dimension_numbers = #tpu.dot_dimension_numbers<[1], [0], [0], [1], [0, 0, 1, 1], [], []>, precision = #tpu.contract_precision<fp32>, transpose_lhs_hint = false} : vector<1024x160xf32>, vector<160x192xf32>, vector<1024x192xf32> -> vector<1024x192xf32>
    %get3A_798 = arith.constant 0 : index
    %get3A_799 = arith.constant 0 : index
    %get3A_800 = vector.load %arg7[%get3A_798, %get3A_799] : memref<1x192xf32, #tpu.memory_space<vmem>>, vector<1x192xf32>
    %add3A_801 = vector.broadcast %get3A_800 : vector<1x192xf32> to vector<1024x192xf32>
    %add3A_802 = arith.addf %dot_general3A_797, %add3A_801 : vector<1024x192xf32>
    %get3A_803 = arith.constant 0 : index
    %get3A_804 = arith.constant 0 : index
    %get3A_805 = vector.load %arg6[%get3A_803, %get3A_804] : memref<64x192xf32, #tpu.memory_space<vmem>>, vector<64x192xf32>
    %dot_general3A_806 = arith.constant dense<0.000000e+00> : vector<1024x192xf32>
    %dot_general3A_807 = tpu.matmul %slice3A_788, %get3A_805, %dot_general3A_806 {dimension_numbers = #tpu.dot_dimension_numbers<[1], [0], [0], [1], [0, 0, 1, 1], [], []>, precision = #tpu.contract_precision<fp32>, transpose_lhs_hint = false} : vector<1024x64xf32>, vector<64x192xf32>, vector<1024x192xf32> -> vector<1024x192xf32>
    %get3A_808 = arith.constant 0 : index
    %get3A_809 = arith.constant 0 : index
    %get3A_810 = vector.load %arg8[%get3A_808, %get3A_809] : memref<1x192xf32, #tpu.memory_space<vmem>>, vector<1x192xf32>
    %add3A_811 = vector.broadcast %get3A_810 : vector<1x192xf32> to vector<1024x192xf32>
    %add3A_812 = arith.addf %dot_general3A_807, %add3A_811 : vector<1024x192xf32>
    %slice3A_813 = vector.extract_strided_slice %add3A_802 {offsets = [0, 0], sizes = [1024, 64], strides = [1, 1]} : vector<1024x192xf32> to vector<1024x64xf32>
    %slice3A_814 = vector.extract_strided_slice %add3A_802 {offsets = [0, 64], sizes = [1024, 64], strides = [1, 1]} : vector<1024x192xf32> to vector<1024x64xf32>
    %slice3A_815 = vector.extract_strided_slice %add3A_802 {offsets = [0, 128], sizes = [1024, 64], strides = [1, 1]} : vector<1024x192xf32> to vector<1024x64xf32>
    %slice3A_816 = vector.extract_strided_slice %add3A_812 {offsets = [0, 0], sizes = [1024, 64], strides = [1, 1]} : vector<1024x192xf32> to vector<1024x64xf32>
    %slice3A_817 = vector.extract_strided_slice %add3A_812 {offsets = [0, 64], sizes = [1024, 64], strides = [1, 1]} : vector<1024x192xf32> to vector<1024x64xf32>
    %slice3A_818 = vector.extract_strided_slice %add3A_812 {offsets = [0, 128], sizes = [1024, 64], strides = [1, 1]} : vector<1024x192xf32> to vector<1024x64xf32>
    %add3A_819 = arith.addf %slice3A_813, %slice3A_816 : vector<1024x64xf32>
    %logistic3A_820 = arith.negf %add3A_819 : vector<1024x64xf32>
    %logistic3A_821 = math.exp %logistic3A_820 : vector<1024x64xf32>
    %logistic3A_822 = arith.constant 1.000000e+00 : f32
    %logistic3A_823 = vector.broadcast %logistic3A_822 : f32 to vector<1024x64xf32>
    %logistic3A_824 = arith.addf %logistic3A_823, %logistic3A_821 : vector<1024x64xf32>
    %logistic3A_825 = arith.divf %logistic3A_823, %logistic3A_824 : vector<1024x64xf32>
    %add3A_826 = arith.addf %slice3A_814, %slice3A_817 : vector<1024x64xf32>
    %logistic3A_827 = arith.negf %add3A_826 : vector<1024x64xf32>
    %logistic3A_828 = math.exp %logistic3A_827 : vector<1024x64xf32>
    %logistic3A_829 = arith.constant 1.000000e+00 : f32
    %logistic3A_830 = vector.broadcast %logistic3A_829 : f32 to vector<1024x64xf32>
    %logistic3A_831 = arith.addf %logistic3A_830, %logistic3A_828 : vector<1024x64xf32>
    %logistic3A_832 = arith.divf %logistic3A_830, %logistic3A_831 : vector<1024x64xf32>
    %mul3A_833 = arith.mulf %logistic3A_825, %slice3A_818 : vector<1024x64xf32>
    %add3A_834 = arith.addf %slice3A_815, %mul3A_833 : vector<1024x64xf32>
    %tanh3A_835 = math.tanh %add3A_834 : vector<1024x64xf32>
    %sub3A_836 = arith.constant 1.000000e+00 : f32
    %sub3A_837 = vector.broadcast %sub3A_836 : f32 to vector<1024x64xf32>
    %sub3A_838 = arith.subf %sub3A_837, %logistic3A_832 : vector<1024x64xf32>
    %mul3A_839 = arith.mulf %sub3A_838, %tanh3A_835 : vector<1024x64xf32>
    %mul3A_840 = arith.mulf %logistic3A_832, %slice3A_788 : vector<1024x64xf32>
    %add3A_841 = arith.addf %mul3A_839, %mul3A_840 : vector<1024x64xf32>
    %get3A_842 = arith.constant 7168 : index
    %get3A_843 = arith.constant 0 : index
    %get3A_844 = vector.load %arg4[%get3A_842, %get3A_843] : memref<8192x160xf32, #tpu.memory_space<vmem>>, vector<1024x160xf32>
    %get3A_845 = arith.constant 0 : index
    %get3A_846 = arith.constant 0 : index
    %get3A_847 = vector.load %arg5[%get3A_845, %get3A_846] : memref<160x192xf32, #tpu.memory_space<vmem>>, vector<160x192xf32>
    %dot_general3A_848 = arith.constant dense<0.000000e+00> : vector<1024x192xf32>
    %dot_general3A_849 = tpu.matmul %get3A_844, %get3A_847, %dot_general3A_848 {dimension_numbers = #tpu.dot_dimension_numbers<[1], [0], [0], [1], [0, 0, 1, 1], [], []>, precision = #tpu.contract_precision<fp32>, transpose_lhs_hint = false} : vector<1024x160xf32>, vector<160x192xf32>, vector<1024x192xf32> -> vector<1024x192xf32>
    %get3A_850 = arith.constant 0 : index
    %get3A_851 = arith.constant 0 : index
    %get3A_852 = vector.load %arg7[%get3A_850, %get3A_851] : memref<1x192xf32, #tpu.memory_space<vmem>>, vector<1x192xf32>
    %add3A_853 = vector.broadcast %get3A_852 : vector<1x192xf32> to vector<1024x192xf32>
    %add3A_854 = arith.addf %dot_general3A_849, %add3A_853 : vector<1024x192xf32>
    %get3A_855 = arith.constant 0 : index
    %get3A_856 = arith.constant 0 : index
    %get3A_857 = vector.load %arg6[%get3A_855, %get3A_856] : memref<64x192xf32, #tpu.memory_space<vmem>>, vector<64x192xf32>
    %dot_general3A_858 = arith.constant dense<0.000000e+00> : vector<1024x192xf32>
    %dot_general3A_859 = tpu.matmul %slice3A_789, %get3A_857, %dot_general3A_858 {dimension_numbers = #tpu.dot_dimension_numbers<[1], [0], [0], [1], [0, 0, 1, 1], [], []>, precision = #tpu.contract_precision<fp32>, transpose_lhs_hint = false} : vector<1024x64xf32>, vector<64x192xf32>, vector<1024x192xf32> -> vector<1024x192xf32>
    %get3A_860 = arith.constant 0 : index
    %get3A_861 = arith.constant 0 : index
    %get3A_862 = vector.load %arg8[%get3A_860, %get3A_861] : memref<1x192xf32, #tpu.memory_space<vmem>>, vector<1x192xf32>
    %add3A_863 = vector.broadcast %get3A_862 : vector<1x192xf32> to vector<1024x192xf32>
    %add3A_864 = arith.addf %dot_general3A_859, %add3A_863 : vector<1024x192xf32>
    %slice3A_865 = vector.extract_strided_slice %add3A_854 {offsets = [0, 0], sizes = [1024, 64], strides = [1, 1]} : vector<1024x192xf32> to vector<1024x64xf32>
    %slice3A_866 = vector.extract_strided_slice %add3A_854 {offsets = [0, 64], sizes = [1024, 64], strides = [1, 1]} : vector<1024x192xf32> to vector<1024x64xf32>
    %slice3A_867 = vector.extract_strided_slice %add3A_854 {offsets = [0, 128], sizes = [1024, 64], strides = [1, 1]} : vector<1024x192xf32> to vector<1024x64xf32>
    %slice3A_868 = vector.extract_strided_slice %add3A_864 {offsets = [0, 0], sizes = [1024, 64], strides = [1, 1]} : vector<1024x192xf32> to vector<1024x64xf32>
    %slice3A_869 = vector.extract_strided_slice %add3A_864 {offsets = [0, 64], sizes = [1024, 64], strides = [1, 1]} : vector<1024x192xf32> to vector<1024x64xf32>
    %slice3A_870 = vector.extract_strided_slice %add3A_864 {offsets = [0, 128], sizes = [1024, 64], strides = [1, 1]} : vector<1024x192xf32> to vector<1024x64xf32>
    %add3A_871 = arith.addf %slice3A_865, %slice3A_868 : vector<1024x64xf32>
    %logistic3A_872 = arith.negf %add3A_871 : vector<1024x64xf32>
    %logistic3A_873 = math.exp %logistic3A_872 : vector<1024x64xf32>
    %logistic3A_874 = arith.constant 1.000000e+00 : f32
    %logistic3A_875 = vector.broadcast %logistic3A_874 : f32 to vector<1024x64xf32>
    %logistic3A_876 = arith.addf %logistic3A_875, %logistic3A_873 : vector<1024x64xf32>
    %logistic3A_877 = arith.divf %logistic3A_875, %logistic3A_876 : vector<1024x64xf32>
    %add3A_878 = arith.addf %slice3A_866, %slice3A_869 : vector<1024x64xf32>
    %logistic3A_879 = arith.negf %add3A_878 : vector<1024x64xf32>
    %logistic3A_880 = math.exp %logistic3A_879 : vector<1024x64xf32>
    %logistic3A_881 = arith.constant 1.000000e+00 : f32
    %logistic3A_882 = vector.broadcast %logistic3A_881 : f32 to vector<1024x64xf32>
    %logistic3A_883 = arith.addf %logistic3A_882, %logistic3A_880 : vector<1024x64xf32>
    %logistic3A_884 = arith.divf %logistic3A_882, %logistic3A_883 : vector<1024x64xf32>
    %mul3A_885 = arith.mulf %logistic3A_877, %slice3A_870 : vector<1024x64xf32>
    %add3A_886 = arith.addf %slice3A_867, %mul3A_885 : vector<1024x64xf32>
    %tanh3A_887 = math.tanh %add3A_886 : vector<1024x64xf32>
    %sub3A_888 = arith.constant 1.000000e+00 : f32
    %sub3A_889 = vector.broadcast %sub3A_888 : f32 to vector<1024x64xf32>
    %sub3A_890 = arith.subf %sub3A_889, %logistic3A_884 : vector<1024x64xf32>
    %mul3A_891 = arith.mulf %sub3A_890, %tanh3A_887 : vector<1024x64xf32>
    %mul3A_892 = arith.mulf %logistic3A_884, %slice3A_789 : vector<1024x64xf32>
    %add3A_893 = arith.addf %mul3A_891, %mul3A_892 : vector<1024x64xf32>
    %concatenate3A_894 = tpu.concatenate %add3A_841, %add3A_893 in 1 : vector<1024x64xf32>, vector<1024x64xf32> -> vector<1024x128xf32>
    %swap3A_895 = arith.constant 7168 : index
    %swap3A_896 = arith.constant 0 : index
    %swap3A_897 = vector.load %arg12[%swap3A_895, %swap3A_896] : memref<8192x128xf32, #tpu.memory_space<vmem>>, vector<1024x128xf32>
    tpu.vector_store %arg12[%swap3A_895, %swap3A_896], %concatenate3A_894 {strides = array<i32>} : memref<8192x128xf32, #tpu.memory_space<vmem>>, vector<1024x128xf32>,
    %dma_start3A_898 = arith.constant 0 : i32
    %dma_start3A_899 = arith.constant 0 : i32
    %dma_start3A_900 = tpu.memref_slice %arg10[%dma_start3A_898, %dma_start3A_899] : memref<500000x128xf32, #tpu.memory_space<any>> -> memref<8192x128xf32, #tpu.memory_space<any>>
    tpu.enqueue_dma source(%arg12 : memref<8192x128xf32, #tpu.memory_space<vmem>>) target(%dma_start3A_900 : memref<8192x128xf32, #tpu.memory_space<any>>) target_semaphore(%arg14 : memref<!tpu.dma_semaphore, #tpu.memory_space<semaphore_mem>>)
    %get3A_901 = arith.constant 0 : index
    %get3A_902 = arith.constant 0 : index
    %get3A_903 = vector.load %arg2[%get3A_901, %get3A_902] : memref<8000x125xf32, #tpu.memory_space<vmem>>, vector<8000x125xf32>
    %iota3A = tpu.iota {dimensions = array<i32: 0>} : vector<8000x125xi32>
    %mul3A_904 = arith.constant 125 : i32
    %mul3A_905 = vector.broadcast %mul3A_904 : i32 to vector<8000x125xi32>
    %mul3A_906 = arith.muli %iota3A, %mul3A_905 : vector<8000x125xi32>
    %iota3A_907 = tpu.iota {dimensions = array<i32: 1>} : vector<8000x125xi32>
    %add3A_908 = arith.addi %mul3A_906, %iota3A_907 : vector<8000x125xi32>
    %lt3A = arith.constant 16384 : i32
    %lt3A_909 = vector.broadcast %lt3A : i32 to vector<8000x125xi32>
    %lt3A_910 = arith.cmpi slt, %add3A_908, %lt3A_909 : vector<8000x125xi32>
    %get3A_911 = arith.constant 0 : index
    %get3A_912 = arith.constant 0 : index
    %get3A_913 = vector.load %arg9[%get3A_911, %get3A_912] : memref<1x1xf32, #tpu.memory_space<vmem>>, vector<1x1xf32>
    %get3A_914 = vector.extract %get3A_913[0, 0] : f32 from vector<1x1xf32>
    %broadcast_in_dim3A = vector.broadcast %get3A_914 : f32 to vector<8000x125xf32>
    %select_n3A = arith.select %lt3A_910, %broadcast_in_dim3A, %get3A_903 : vector<8000x125xi1>, vector<8000x125xf32>
    %swap3A_915 = arith.constant 0 : index
    %swap3A_916 = arith.constant 0 : index
    %swap3A_917 = vector.load %arg11[%swap3A_915, %swap3A_916] : memref<8000x125xf32, #tpu.memory_space<vmem>>, vector<8000x125xf32>
    tpu.vector_store %arg11[%swap3A_915, %swap3A_916], %select_n3A {strides = array<i32>} : memref<8000x125xf32, #tpu.memory_space<vmem>>, vector<8000x125xf32>,
    %dma_wait3A_918 = arith.constant 0 : i32
    %dma_wait3A_919 = arith.constant 0 : i32
    %dma_wait3A_920 = tpu.memref_slice %arg10[%dma_wait3A_918, %dma_wait3A_919] : memref<500000x128xf32, #tpu.memory_space<any>> -> memref<8192x128xf32, #tpu.memory_space<any>>
    tpu.wait_dma2 semaphore(%arg14 : memref<!tpu.dma_semaphore, #tpu.memory_space<semaphore_mem>>) src(%arg12 : memref<8192x128xf32, #tpu.memory_space<vmem>>) dst(%dma_wait3A_920 : memref<8192x128xf32, #tpu.memory_space<any>>)
    return
  }
  func.func @transform_1(%arg0: i32) -> (i32, i32) {
    %c0_i32 = arith.constant 0 : i32
    %c0_i32_0 = arith.constant 0 : i32
    %c0_i32_1 = arith.constant 0 : i32
    return %c0_i32, %c0_i32_0 : i32, i32
  }
  func.func @transform_2(%arg0: i32) -> (i32, i32) {
    %c0_i32 = arith.constant 0 : i32
    %c0_i32_0 = arith.constant 0 : i32
    %c0_i32_1 = arith.constant 0 : i32
    return %c0_i32, %c0_i32_0 : i32, i32
  }
  func.func @transform_3(%arg0: i32) -> (i32, i32) {
    %c0_i32 = arith.constant 0 : i32
    %c0_i32_0 = arith.constant 0 : i32
    %c0_i32_1 = arith.constant 0 : i32
    return %c0_i32, %c0_i32_0 : i32, i32
  }
  func.func @transform_4(%arg0: i32) -> (i32, i32) {
    %c0_i32 = arith.constant 0 : i32
    %c0_i32_0 = arith.constant 0 : i32
    %c0_i32_1 = arith.constant 0 : i32
    return %c0_i32, %c0_i32_0 : i32, i32
  }
  func.func @transform_5(%arg0: i32) -> (i32, i32) {
    %c0_i32 = arith.constant 0 : i32
    %c0_i32_0 = arith.constant 0 : i32
    %c0_i32_1 = arith.constant 0 : i32
    return %c0_i32, %c0_i32_0 : i32, i32
  }
  func.func @transform_6(%arg0: i32) -> (i32, i32) {
    %c0_i32 = arith.constant 0 : i32
    %c0_i32_0 = arith.constant 0 : i32
    %c0_i32_1 = arith.constant 0 : i32
    return %c0_i32, %c0_i32_0 : i32, i32
  }
  func.func @transform_7(%arg0: i32) -> (i32, i32) {
    %c0_i32 = arith.constant 0 : i32
    %c0_i32_0 = arith.constant 0 : i32
    %c0_i32_1 = arith.constant 0 : i32
    return %c0_i32, %c0_i32_0 : i32, i32
  }
  func.func @transform_8(%arg0: i32) -> (i32, i32) {
    %c0_i32 = arith.constant 0 : i32
    %c0_i32_0 = arith.constant 0 : i32
    %c0_i32_1 = arith.constant 0 : i32
    return %c0_i32, %c0_i32_0 : i32, i32
  }
  func.func @transform_10(%arg0: i32) -> (i32, i32) {
    %c0_i32 = arith.constant 0 : i32
    %c0_i32_0 = arith.constant 0 : i32
    %c0_i32_1 = arith.constant 0 : i32
    return %c0_i32, %c0_i32_0 : i32, i32
  }
}

</mosaic_0001>

<sc_bundles>
// kernel: sparse-core-data-format-call.cloned.1.call-start
scs
called_computation_lowered:
.L_overlay_start_0:
0x0: {  	s2 =	sld [smem:$0x3FD9]  }
0x1: {  	s3 =	sld [smem:$0x3FFE];
	_ =	sdelay $0x1  }
0x2: {  	s1 =	srdreg.scid  }
0x3: {  	s0 =	sand.u32 $0x1, s1  }
0x4: {  	s15 =	sshll.u32 s0, $0xA;
	s2 =	sadd.s32 s3, s2  }
0x5: {  	s2 =	sadd.s32 s2, s15  }
0x6: {  	[smem:$0x3FC0] =	sst s2  }
0x7: {  	_ = 	snop  }
0x8: {  	s2 =	sld [smem:$0x3FD0];
	_ =	sdelay $0x2  }
0x9: {  	s16 =	simm.s32 $0xA;
	s4 =	simm.s32 $0x10  }
0xa: {  	[smem:s4], [sflag:s16] =	dma.local [hbm:s2], $0x1  }
0xb: {  	_ =	swait.eq [sflag:s16], $0x1  }
0xc: {  	[sflag:s16] =	ssyncset.done $0x0  }
0xd: {  	[sflag:s16] =	ssyncadd.s32 $0xFFFFFFFF  }
0xe: {  	s17 =	sld [smem:$0x10];
	(tm) =	ssettm $0x1  }
0xf: {  	s18 =	sld [smem:$0x3FFB];
	_ =	sdelay $0x3  }
0x10: {  	_ =	strace s18  }
0x11: {  	s3 =	sld [smem:$0x3FFC];
	_ =	sdelay $0x3  }
0x12: {  	_ =	strace s3  }
0x13: {  	s3 =	sld [smem:$0x3FFD];
	_ =	sdelay $0x3  }
0x14: {  	_ =	strace s3  }
0x15: {  	_ =	strace $0x8FFFFFFF  }
0x16: {  	s19 =	sld [smem:$0x3FDB];
	_ =	sdelay $0x1  }
0x17: {  	s20 =	simm.s32 $_scs_section_size  }
0x18: {  	s5 =	simm.s32 $_size__tile_overlayer_lowered;
	s6 =	simm.s32 $_tile_overlayer_lowered  }
0x19: {  	s23 =	simm.s32 $0x1BFF;
	s22 =	sshll.u32 s6, $0x1;
	s3 =	sadd.s32 s20, s19  }
0x1a: {  	s7 =	simm.s32 $0x0;
	s21 =	sshll.u32 s5, $0x1;
	s5 =	sadd.s32 s22, s3  }
0x1b: {  	[timem:s7], [sflag:s23] =	dma.local [hbm:s5], s21  }
0x1c: {  	_ =	swait.ge [sflag:s23], s21  }
0x1d: {  	s4 =	ssub.s32 $0x0, s21;
	[sflag:s23] =	ssyncset.done $0x0  }
0x1e: {  	[sflag:s23] =	ssyncadd.s32 s4;
	_ =	sdelay $0x1  }
0x1f: {  	s24 =	simm.s32 $0x1B8B  }
0x20: {  	_ =	swait.ge [sflag:s24], $0x1  }
0x21: {  	[sflag:s24] =	ssyncset.done $0x0  }
0x22: {  	s26 =	simm.s32 $0x1B8E;
	s25 =	sld [smem:$0x3FFE];
	[sflag:s24] =	ssyncadd.s32 $0xFFFFFFFF  }
0x23: {  	s27 =	simm.s32 $execute0_lowered;
	[smem:$0x3FD2] =	sst s26  }
0x24: {  	s5 =	sshll.u32 s27, $0x1;
	_ =	strace $0x80000046;
	[dreg:$0x1] =	wrdreg $0xFFFFFFFF  }
0x25: {  	s28 =	simm.s32 $_size_execute0_lowered;
	s3 =	sadd.s32 s3, s5;
	[dreg:$0x0] =	wrdreg $0x0  }
0x26: {  	s5 =	sshll.u32 s28, $0x1;
	[dreg:$0x2] =	wrdreg s3  }
0x27: {  	[dreg:$0x3] =	wrdreg s5  }
0x28: {  	[dreg:$0x4] =	wrdreg $0xC0  }
0x29: {  	_ =	task [dreg:s7], $0x5FFFF  }
0x2a: {  	[dreg:$0x1] =	wrdreg $0xFFFFFFFF  }
0x2b: {  	[dreg:$0x0] =	wrdreg $0x60  }
0x2c: {  	[dreg:$0x2] =	wrdreg s25  }
0x2d: {  	[dreg:$0x3] =	wrdreg s17  }
0x2e: {  	[dreg:$0x4] =	wrdreg $0x9  }
0x2f: {  	_ =	task.clear_ibuf [dreg:s7], $0x5FFFF;
	_ =	strace $0x90000046  }
0x30: {  	s29 =	simm.s32 $0x9;
	_ =	strace $0x80000048  }
0x31: {  	_ =	swait.ge [sflag:s29], $0x1  }
0x32: {  	[sflag:s29] =	ssyncadd.s32 $0xFFFFFFFF  }
0x33: {  	_ =	strace $0x90000048  }
0x34: {  	_ =	sfence  }
0x35: {  	s30 =	sld [smem:$0x0];
	_ =	sdelay $0x2  }
0x36: {  	s31 =	sshll.u32 s1, $0xD;
	s1 =	sshrl.u32 s1, $0x2  }
0x37: {  	s3 =	sand.u32 $0x4000, s31;
	s1 =	sadd.s32 s1, s30  }
0x38: {  	s0 =	sor.u32 s3, s0;
	s1 =	sshll.u32 s1, $0x11  }
0x39: {  	s0 =	sor.u32 s1, s0  }
0x3a: {  	s0 =	sadd.s32 $0x8F2B, s0  }
0x3b: {  	[sflag:s0] =	ssyncadd.remote.s32 $0x1  }
0x3c: {  	_ =	sfence.sel $0xFFFF  }
0x3d: {  	[dreg:$0x0] =	wrdreg $0xFFFFFFFF;
	(pc) =	sbr.abs _section_cstart, $3  }
0x3e: {  	[dreg:$0x1] =	wrdreg $0xFFFFFFFF  }
0x3f: {  	_ =	task.clear_ibuf [dreg:s7], $0x2FFFF;
	_ =	strace $0x9FFFFFFF  }
0x40: {  	(tm) =	ssettm $0x7FFFFFFF  }
0x41: {  	_ =	shalt  }
tec
execute0_lowered:
.L_overlay_start_1:
0x0: {  	(tag) =	ssettag $0x1  }
0x1: {  	s4 =	rddreg [dreg:$0x0]  }
0x2: {  	s0 =	srdreg.scid;
	s2 =	rddreg [dreg:$0x1]  }
0x3: {  	s1 =	stileid.u32;
	s5 =	simm.s32 $0x1;
	s0 =	sshll.u32 s0, $0x4  }
0x4: {  	s7 =	simm.s32 $0x2;
	s11 =	simm.s32 $0x0;
	s3 =	sand.u32 $0x10, s0  }
.Ltmp0:
0x5: {  	p0 =	por $0x0, $0x0;
	s3 =	sor.u32 s1, s3;
	(pc) =	sbr.rel .LBB1_1-.Ltmp0, $4  }
0x6: {  	s8 =	simm.s32 $0x7A1400;
	s10 =	simm.s32 $0x0;
	s3 =	sshll.u32 s3, $0x7  }
0x7: {  	s0 =	rddreg [dreg:$0x2];
	_ =	strace $0x80000047;
	s6 =	ssub.s32 $0xF4200, s3  }
0x8: {  	s4 =	sadd.s32 $0x20E00, s4;
	[sflag:s5] =	ssyncpa.u1 $0x0;
	s6 =	sshrl.u32 s6, $0xC  }
0x9: {  	[sflag:s7] =	ssyncpa.u1 $0x0;
	s9 =	smov.u32 s3;
	s7 =	sadd.s32 $0x2, s6  }
.LBB1_5:
0xa: {  	s13 =	sadd.s32 $0x1000, s9  }
0xb: {  	p2 =	sgt.s32 s13, $0xF423F  }
0xc: {  	s13 =	smov.u32 @p2 s3;
	p2 =	sne.s32 s10, s7  }
.Ltmp1:
0xd: {  	p1 =	slt.u32 s10, $0x2;
	(pc) =	sbr.rel @!p2 .LBB1_6-.Ltmp1, $4  }
0xe: {  	s12 =	simm.s32 @!p1 $0x2  }
0xf: {  	s14 =	sadd.s32 $0x1, s10;
	_ =	swait.ge @!p1 [sflag:s12], $0x2000  }
0x10: {  	s11 =	smov.u32 s9;
	p0 =	por !p0, !p0;
	[sflag:s12] =	ssyncset.done @!p1 $0x0  }
0x11: {  	s10 =	smov.u32 s14;
	s9 =	smov.u32 s13;
	[sflag:s12] =	ssyncadd.s32 @!p1 $0xFFFFE000  }
.LBB1_1:
0x12: {  	p1 =	sgt.u32 s10, s6  }
0x13: {  	s13 =	smov.u32 s9;
	p2 =	sgt.s32 @!p1 s9, $0xF41C0  }
0x14: {  	s12 =	sand.u32 @!p1 $0x1FFFFFF, s9;
	s14 =	sshra.s32 @!p1 s9, $0x1F;
	p2 =	por !p2, p1  }
0x15: {  	s15 =	smulhi.u32 @!p1 $0x218DEF5, s12;
	s14 =	sand.u32 @!p1 s14, s9;
	s13 =	simm.s32 @p2 $0xF41C0  }
0x16: {  	s13 =	ssub.s32 @!p1 s13, s14  }
0x17: {  	s14 =	sshrl.u32 @!p1 s15, $0xD;
	s13 =	sadd.s32 @!p1 $0xFFF0BE40, s13  }
0x18: {  	s15 =	sxor.u32 @!p1 $0xFFFFFFFF, s10;
	s14 =	smul.u32 @!p1 $0xF4240, s14;
	s16 =	sshll.u32 @!p1 s13, $0x8  }
0x19: {  	s15 =	sshll.u32 @!p1 s15, $0xD;
	p2 =	sgt.s32 @!p1 s13, $0x7F;
	s13 =	ssub.s32 @!p1 $0x8000, s16  }
0x1a: {  	s12 =	ssub.s32 @!p1 s12, s14;
	p2 =	por !p2, p1;
	s14 =	sand.u32 @!p1 $0x2000, s15  }
0x1b: {  	s15 =	simm.s32 @!p1 $0x40;
	s13 =	sshrl.u32 @!p1 s13, $0x2;
	s12 =	sshll.u32 @!p1 s12, $0x4  }
0x1c: {  	s16 =	simm.s32 @!p1 $0x80;
	s13 =	simm.s32 @!p2 $0x0;
	s12 =	sadd.s32 @!p1 s4, s12  }
0x1d: {  	[tilespmem:s14], [sflag:$0x1] =	stream.strided.gather @!p1 [hbm4b:s12+s15], s13, s16, s15, $0x38;
	[tilespmem:$0x8080] =	vst v63  }
0x1e: {  	p1 =	seq.s32 s10, $0x0  }
0x1f: {  	p2 =	sge.u32 @!p1 s10, s7  }
0x20: {  	p1 =	por p1, p2  }
.Ltmp2:
0x21: {  	_ = 	snop;
	(pc) =	sbr.rel @p1 .LBB1_5-.Ltmp2, $1  }
0x22: {  	_ =	sdelay $0x3  }
0x23: {  	p1 =	sgt.s32 s11, $0xF41C0;
	s12 =	smov.u32 s11;
	s13 =	sshra.s32 s11, $0x1F  }
0x24: {  	s12 =	simm.s32 @!p1 $0xF41C0;
	s13 =	sand.u32 s13, s11  }
0x25: {  	s12 =	ssub.s32 s12, s13  }
0x26: {  	s12 =	sadd.s32 $0xFFF0BE40, s12  }
0x27: {  	s28 =	sshll.u32 s12, $0x8  }
0x28: {  	s13 =	ssub.s32 $0x8000, s28  }
0x29: {  	p1 =	sgt.s32 s12, $0x7F;
	s12 =	sshrl.u32 s13, $0x2  }
0x2a: {  	s13 =	simm.s32 $0x1;
	s12 =	simm.s32 @p1 $0x0  }
0x2b: {  	s13 =	simm.s32 @!p0 $0x0;
	_ =	swait.ge [sflag:s5], s12  }
0x2c: {  	s14 =	sshll.u32 s13, $0xD;
	s12 =	ssub.s32 $0x0, s12;
	[sflag:s5] =	ssyncset.done $0x0  }
0x2d: {  	s16 =	sor.u32 $0x20, s14;
	[sflag:s5] =	ssyncadd.s32 s12  }
0x2e: {  	s29 =	smul.u32 $0x8100, s13;
	v3 =	vld [tilespmem:s16+$0x10]  }
0x2f: {  	s30 =	sand.u32 $0x1, s10;
	v2 =	vld [tilespmem:s16+$0xFFFFFFF0]  }
0x30: {  	s13 =	smul.u32 $0x8100, s30;
	s12 =	sshrl.u32 s29, $0x2;
	v0 =	vld [tilespmem:s16+$0x0]  }
0x31: {  	s14 =	sor.u32 $0x4000, s12;
	v1 =	vld [tilespmem:s16+$0xFFFFFFE0]  }
0x32: {  	s31 =	sshrl.u32 s13, $0x2;
	s13 =	sadd.s32 $0x0, s14  }
0x33: {  	s15 =	simm.s32 $0x4;
	s12 =	sor.u32 $0x4000, s31;
	s16 =	sadd.s32 $0x40, s16;
	[tilespmem:s13+$0x1830 ss:$0x81] =	vst.msk $0xffff, v3  }
.LBB1_3:
0x34: {  	v3 =	vld [tilespmem:s16+$0x10];
	p1 =	sne.s32 s15, $0x1FC;
	[tilespmem:s13+$0x810 ss:$0x81] =	vst.msk $0xffff, v2;
	s17 =	smov.u32 s15;
	s15 =	sadd.s32 $0x4, s15  }
.Ltmp3:
0x35: {  	v2 =	vld [tilespmem:s16+$0xFFFFFFF0];
	[tilespmem:s13+$0x1020 ss:$0x81] =	vst.msk $0xffff, v0;
	(pc) =	sbr.rel @p1 .LBB1_3-.Ltmp3, $4  }
0x36: {  	v0 =	vld [tilespmem:s16+$0x0];
	[tilespmem:s13+$0x0 ss:$0x81] =	vst.msk $0xffff, v1  }
0x37: {  	s13 =	sshra.s32 s17, $0x2;
	v1 =	vld [tilespmem:s16+$0xFFFFFFE0]  }
0x38: {  	s13 =	sadd.s32 s13, s14  }
0x39: {  	s16 =	sadd.s32 $0x40, s16;
	[tilespmem:s13+$0x1830 ss:$0x81] =	vst.msk $0xffff, v3  }
0x3a: {  	s14 =	sshll.u32 s11, $0x3  }
0x3b: {  	s30 =	sand.u32 $0x7F, s11;
	s14 =	sand.u32 $0xFFFFFC00, s14  }
0x3c: {  	s11 =	sor.u32 s30, s14  }
0x3d: {  	s15 =	smulhi.u32 $0x218D6287, s11;
	_ =	sdelay $0x1  }
0x3e: {  	s14 =	smulhi.u32 $0x218D6287, s14;
	s15 =	sshrl.u32 s15, $0x11  }
0x3f: {  	s15 =	smul.u32 $0xF4280, s15  }
0x40: {  	s14 =	sshrl.u32 s14, $0x11  }
.Ltmp4:
0x41: {  	s14 =	sand.u32 $0x3F, s14;
	s11 =	ssub.s32 s11, s15;
	(pc) =	sbr.rel .LBB1_5-.Ltmp4, $4  }
0x42: {  	[tilespmem:s13+$0x810 ss:$0x81] =	vst.msk $0xffff, v2;
	s14 =	smul.u32 $0x1E850, s14;
	s15 =	sshrl.u32 s11, $0x3;
	s11 =	sand.u32 $0x7, s11  }
0x43: {  	[tilespmem:s13+$0x1020 ss:$0x81] =	vst.msk $0xffff, v0;
	s15 =	sadd.s32 s2, s15;
	s11 =	sshll.u32 s11, $0x12  }
0x44: {  	[tilespmem:s13+$0x0 ss:$0x81] =	vst.msk $0xffff, v1;
	s31 =	sadd.s32 s14, s15;
	s11 =	sor.u32 $0x400, s11  }
0x45: {  	[hbm4b:s31+s11] =	stream.strided.scatter [tilespmem:s12], [sflag:$0x2], $0x2000, s8, s11, $0x20;
	[tilespmem:$0x8080] =	vst v63  }
.LBB1_6:
0x46: {  	_ =	sfence.sel $0x180000  }
0x47: {  	s2 =	simm.s32 $0x1;
	[bflag:$0x0] =	sbarrier.arrive $0xFFFF  }
0x48: {  	s31 =	simm.s32 $0x2;
	[sflag:s2] =	ssyncpa.u1 $0x1  }
0x49: {  	[sflag:s31] =	ssyncpa.u1 $0x1  }
0x4a: {  	p0 =	sne.s32 s1, $0x0;
	_ =	strace $0x90000047  }
0x4b: {  	s0 =	sadd.s32 @!p0 $0x100000, s0;
	[bflag:$0x2] =	sbarrier.arrive $0xFFFF  }
0x4c: {  	[sflag:s0] =	ssyncadd.tile.s32 @!p0 $0x1;
	_ =	shalt  }
.Lfunc_end1:
_tile_overlayer_lowered:
.L_overlay_start_2:
0x4d: {  	(tag) =	ssettag $0x2  }
0x4e: {  	s0 =	rddreg [dreg:$0x0];
	s2 =	stileid.u32  }
0x4f: {  	s1 =	rddreg [dreg:$0x1];
	p0 =	sne.s32 s2, $0x0  }
0x50: {  	s3 =	rddreg [dreg:$0x2];
	[bflag:$0x3] =	sbarrier.arrive $0xFFFF;
	s2 =	simm.s32 @!p0 $0x1C01  }
0x51: {  	[timem:s3], [sflag:s2] =	dma.local @!p0 [hbm:s0], s1  }
0x52: {  	s0 =	simm.s32 @!p0 $0x1  }
0x53: {  	_ =	swait.ge @!p0 [sflag:s0], s1  }
0x54: {  	s1 =	ssub.s32 @!p0 $0x0, s1;
	[sflag:s0] =	ssyncset.done @!p0 $0x0  }
0x55: {  	[sflag:s0] =	ssyncadd.s32 @!p0 s1  }
0x56: {  	[bflag:$0x3] =	sbarrier.arrive $0xFFFF  }
0x57: {  	_ =	shalt  }

</sc_bundles>
